<compile_context>
chip_gen: v7x
topology: tpu7x:2x2x1
jax: 0.10.2.dev20260603
libtpu: 0.0.44.dev20260713+nightly
codegen_flags: <defaults>
</compile_context>

<pallas_src>
import functools

import jax
import jax.numpy as jnp
from jax import lax
from jax.experimental import pallas as pl
from jax.experimental.pallas import tpu as pltpu
from jax.experimental.pallas import tpu_sc as plsc

CTX = 200
EMBED = 64
VOCAB = 1000000

_RING = 7
_NW = 32
_SLOTS = (CTX + _NW - 1) // _NW


def _sc_gather_sum_body(idx_hbm, tabt_hbm, out_hbm, idx_vm, blks, acc_v, *sems):
    c = lax.axis_index("c")
    t = lax.axis_index("s")
    wid = c * 16 + t

    pltpu.sync_copy(idx_hbm, idx_vm.at[pl.ds(0, CTX)])

    def get_v(j):
        chunk = idx_vm[pl.ds(32 * j + 16 * c, 16)]
        sel = lax.iota(jnp.int32, 16) == t
        return jnp.sum(jnp.where(sel, chunk, 0))

    def col_base(v):
        return pl.multiple_of(v - (v & 127), 128)

    def issue(j, b):
        pltpu.make_async_copy(
            tabt_hbm.at[:, pl.ds(col_base(get_v(j)), 128)], blks.at[b], sems[b]
        ).start()

    def active(j):
        return (wid + 32 * j < CTX) if 32 * j + 31 >= CTX else None

    def when_active(j, fn):
        a = active(j)
        if a is None:
            fn()
        else:
            pl.when(a)(fn)

    for b in range(min(_RING, _SLOTS)):
        when_active(b, lambda b=b: issue(b, b))

    acc = [jnp.zeros((16,), jnp.float32) for _ in range(4)]
    for j in range(_SLOTS):
        b = j % _RING
        when_active(j, lambda b=b: pltpu.make_async_copy(
            tabt_hbm.at[:, pl.ds(0, 128)], blks.at[b], sems[b]).wait())
        v = get_v(j)
        o = v - col_base(v)
        cols = jnp.full((16,), o, jnp.int32)
        a = active(j)
        for k in range(4):
            rows = lax.iota(jnp.int32, 16) + 16 * k
            g = plsc.load_gather(blks.at[b], [rows, cols])
            acc[k] = acc[k] + g if a is None else acc[k] + jnp.where(a, g, 0.0)
        if j + _RING < _SLOTS:
            when_active(j + _RING, lambda j=j, b=b: issue(j + _RING, b))

    for k in range(4):
        acc_v[k, :] = acc[k]
    pltpu.sync_copy(acc_v, out_hbm.at[wid])


@jax.jit
def _sc_gather_sum(inputs, tab_t):
    mesh = plsc.VectorSubcoreMesh(core_axis_name="c", subcore_axis_name="s")
    return pl.kernel(
        _sc_gather_sum_body,
        out_type=jax.ShapeDtypeStruct((_NW, 4, 16), jnp.float32),
        mesh=mesh,
        scratch_types=[
            pltpu.VMEM((32 * _SLOTS, ), jnp.int32),
            pltpu.VMEM((_RING, EMBED, 128), jnp.float32),
            pltpu.VMEM((4, 16), jnp.float32),
        ] + [pltpu.SemaphoreType.DMA] * _RING,
        compiler_params=pltpu.CompilerParams(needs_layout_passes=False),
    )(inputs, tab_t)


_BLKV = 35840


def _tc_matvec_body(p_ref, wt_ref, b_ref, o_ref):
    e = jnp.sum(p_ref[:], axis=0, keepdims=True)
    e8 = jnp.broadcast_to(e, (8, EMBED))
    acc = lax.dot_general(
        e8, wt_ref[:], (((1,), (0,)), ((), ())),
        preferred_element_type=jnp.float32,
    )
    o_ref[:] = acc[0] + b_ref[:]


@jax.jit
def _tc_matvec(partials, W_t, b):
    nblk = pl.cdiv(VOCAB, _BLKV)
    return pl.pallas_call(
        _tc_matvec_body,
        grid=(nblk,),
        in_specs=[
            pl.BlockSpec((32, EMBED), lambda i: (0, 0)),
            pl.BlockSpec((EMBED, _BLKV), lambda i: (0, i)),
            pl.BlockSpec((_BLKV,), lambda i: (i,)),
        ],
        out_specs=pl.BlockSpec((_BLKV,), lambda i: (i,)),
        out_shape=jax.ShapeDtypeStruct((VOCAB,), jnp.float32),
    )(partials, W_t, b)


def kernel(inputs, emb_table, W, b):
    partials = _sc_gather_sum(inputs, emb_table.T)
    return _tc_matvec(partials.reshape(_NW, EMBED), W.T, b)

# --- scband reference (transcript-rebuilt; emitter-appended) ---
"""Pipeline reference for scband-cbow-9345848836586 (READ-ONLY COPY).

The authoritative reference and input builder live on the scoring server;
editing this copy changes nothing except your own understanding.
"""

import jax, jax.numpy as jnp
import numpy as np

VOCAB = 1000000
EMBED = 64
CTX = 200

def setup_inputs(seed: int = 0) -> dict:
    key = jax.random.key(seed)
    k1, k2, k3, k4 = jax.random.split(key, 4)
    inputs = jax.random.randint(k1, (CTX,), 0, VOCAB, dtype=jnp.int64 if jax.config.jax_enable_x64 else jnp.int32).astype(jnp.int32)
    emb_table = jax.random.normal(k2, (VOCAB, EMBED), dtype=jnp.float32) * 0.02
    W = jax.random.normal(k3, (VOCAB, EMBED), dtype=jnp.float32) * 0.02
    b = jax.random.normal(k4, (VOCAB,), dtype=jnp.float32) * 0.02
    return {"inputs": inputs, "emb_table": emb_table, "W": W, "b": b}

def reference(inputs, emb_table, W, b):
    # lookup_embeds = self.embeddings(inputs)  -> [CTX, EMBED]
    lookup_embeds = jnp.take(emb_table, inputs, axis=0)
    # embeds = lookup_embeds.sum(dim=0) -> [EMBED]
    embeds = lookup_embeds.sum(axis=0)
    # out = self.linear(embeds) -> [VOCAB]
    out = embeds @ W.T + b
    return out

if __name__ == "__main__":
    import jax
    _d = setup_inputs()
    print(jax.jit(kernel)(*tuple(_d.values())))

</pallas_src>

<mosaic_0001>
#map = affine_map<(d0, d1) -> (0)>
#map1 = affine_map<(d0, d1) -> (0, 0)>
#map2 = affine_map<(d0, d1) -> (0, 0, 0)>
module attributes {stable_mosaic.version = 14 : i64} {
  func.func @_sc_gather_sum_body(%arg0: i32, %arg1: i32, %arg2: memref<200xi32, #tpu.memory_space<hbm>>, %arg3: memref<64x1000000xf32, #tpu.memory_space<hbm>>, %arg4: memref<32x4x16xf32, #tpu.memory_space<hbm>>, %arg5: memref<224xi32, #tpu.memory_space<vmem>>, %arg6: memref<7x64x128xf32, #tpu.memory_space<vmem>>, %arg7: memref<4x16xf32, #tpu.memory_space<vmem>>, %arg8: memref<!tpu.dma_semaphore, #tpu.memory_space<semaphore_mem>>, %arg9: memref<!tpu.dma_semaphore, #tpu.memory_space<semaphore_mem>>, %arg10: memref<!tpu.dma_semaphore, #tpu.memory_space<semaphore_mem>>, %arg11: memref<!tpu.dma_semaphore, #tpu.memory_space<semaphore_mem>>, %arg12: memref<!tpu.dma_semaphore, #tpu.memory_space<semaphore_mem>>, %arg13: memref<!tpu.dma_semaphore, #tpu.memory_space<semaphore_mem>>, %arg14: memref<!tpu.dma_semaphore, #tpu.memory_space<semaphore_mem>>) attributes {dimension_semantics = [#tpu.dimension_semantics<core_parallel>, #tpu.dimension_semantics<subcore_parallel>], iteration_bounds = array<i64: 2, 16>, scalar_prefetch = 0 : i64, scratch_operands = 10 : i64, tpu.core_type = #tpu.core_type<sc_vector_subcore>, window_params = [{transform_indices = #map}, {transform_indices = #map1}, {transform_indices = #map2}]} {
    %mul3A = arith.constant 16 : i32
    %mul3A_0 = arith.muli %arg0, %mul3A : i32
    %add3A = arith.addi %mul3A_0, %arg1 : i32
    "tpu.region"() ({
      %run_scoped3A = tpu.sem_alloc : memref<!tpu.dma_semaphore, #tpu.memory_space<semaphore_mem>>
      %dma_start3A_788 = arith.constant 0 : i32
      %dma_start3A_789 = tpu.memref_slice %arg5[%dma_start3A_788] : memref<224xi32, #tpu.memory_space<vmem>> -> memref<200xi32, #tpu.memory_space<vmem>>
      %dma_start3A_790 = arith.constant 0 : i32
      %dma_start3A_791 = tpu.memref_slice %arg5[%dma_start3A_790] : memref<224xi32, #tpu.memory_space<vmem>> -> memref<200xi32, #tpu.memory_space<vmem>>
      tpu.enqueue_dma source(%arg2 : memref<200xi32, #tpu.memory_space<hbm>>) target(%dma_start3A_791 : memref<200xi32, #tpu.memory_space<vmem>>) target_semaphore(%run_scoped3A : memref<!tpu.dma_semaphore, #tpu.memory_space<semaphore_mem>>)
      %dma_wait3A_792 = arith.constant 0 : i32
      %dma_wait3A_793 = tpu.memref_slice %arg5[%dma_wait3A_792] : memref<224xi32, #tpu.memory_space<vmem>> -> memref<200xi32, #tpu.memory_space<vmem>>
      %dma_wait3A_794 = arith.constant 0 : i32
      %dma_wait3A_795 = tpu.memref_slice %arg5[%dma_wait3A_794] : memref<224xi32, #tpu.memory_space<vmem>> -> memref<200xi32, #tpu.memory_space<vmem>>
      tpu.wait_dma2 semaphore(%run_scoped3A : memref<!tpu.dma_semaphore, #tpu.memory_space<semaphore_mem>>) src(%arg2 : memref<200xi32, #tpu.memory_space<hbm>>) dst(%dma_wait3A_795 : memref<200xi32, #tpu.memory_space<vmem>>)
      tpu.yield
    }) : () -> ()
    %mul3A_1 = arith.constant 16 : i32
    %mul3A_2 = arith.muli %mul3A_1, %arg0 : i32
    %add3A_3 = arith.constant 0 : i32
    %add3A_4 = arith.addi %add3A_3, %mul3A_2 : i32
    %get3A = arith.index_cast %add3A_4 : i32 to index
    %get3A_5 = tpu.vector_load %arg5[%get3A] {strides = array<i32>} : memref<224xi32, #tpu.memory_space<vmem>>, vector<16xi32>,
    %iota3A = tpu.iota {dimensions = array<i32: 0>} : vector<16xi32>
    %eq3A = vector.broadcast %arg1 : i32 to vector<16xi32>
    %eq3A_6 = arith.cmpi eq, %iota3A, %eq3A : vector<16xi32>
    %jit3A = arith.constant 0 : i32
    %broadcast_in_dim3A = vector.broadcast %jit3A : i32 to vector<16xi32>
    %select_n3A = arith.select %eq3A_6, %get3A_5, %broadcast_in_dim3A : vector<16xi1>, vector<16xi32>
    %reduce_sum3A = arith.constant true
    %reduce_sum3A_7 = vector.broadcast %reduce_sum3A : i1 to vector<16xi1>
    %reduce_sum3A_8 = tpu.scan <sum>, %select_n3A masked %reduce_sum3A_7 : vector<16xi32>, vector<16xi1> -> vector<16xi32>
    %reduce_sum3A_9 = vector.extract %reduce_sum3A_8[15] : i32 from vector<16xi32>
    %and3A = arith.constant 127 : i32
    %and3A_10 = arith.andi %reduce_sum3A_9, %and3A : i32
    %sub3A = arith.subi %reduce_sum3A_9, %and3A_10 : i32
    %multiple_of3A = tpu.assume_multiple %sub3A, 128 : i32
    %dma_start3A = arith.constant 0 : i32
    %dma_start3A_11 = arith.constant 0 : i32
    %dma_start3A_12 = arith.constant 0 : i32
    %dma_start3A_13 = tpu.memref_slice %arg6[%dma_start3A, %dma_start3A_11, %dma_start3A_12] : memref<7x64x128xf32, #tpu.memory_space<vmem>> -> memref<1x64x128xf32, #tpu.memory_space<vmem>>
    %dma_start3A_14 = tpu.memref_squeeze %dma_start3A_13 : memref<1x64x128xf32, #tpu.memory_space<vmem>> -> memref<64x128xf32, #tpu.memory_space<vmem>>
    %dma_start3A_15 = arith.constant 0 : i32
    %dma_start3A_16 = tpu.memref_slice %arg3[%dma_start3A_15, %multiple_of3A] : memref<64x1000000xf32, #tpu.memory_space<hbm>> -> memref<64x128xf32, #tpu.memory_space<hbm>>
    %dma_start3A_17 = arith.constant 0 : i32
    %dma_start3A_18 = arith.constant 0 : i32
    %dma_start3A_19 = tpu.memref_slice %arg6[%dma_start3A, %dma_start3A_17, %dma_start3A_18] : memref<7x64x128xf32, #tpu.memory_space<vmem>> -> memref<1x64x128xf32, #tpu.memory_space<vmem>>
    %dma_start3A_20 = tpu.memref_squeeze %dma_start3A_19 : memref<1x64x128xf32, #tpu.memory_space<vmem>> -> memref<64x128xf32, #tpu.memory_space<vmem>>
    %dma_start3A_21 = arith.constant 0 : i32
    %dma_start3A_22 = tpu.memref_slice %arg3[%dma_start3A_21, %multiple_of3A] : memref<64x1000000xf32, #tpu.memory_space<hbm>> -> memref<64x128xf32, #tpu.memory_space<hbm>>
    tpu.enqueue_dma source(%dma_start3A_22 : memref<64x128xf32, #tpu.memory_space<hbm>>) target(%dma_start3A_20 : memref<64x128xf32, #tpu.memory_space<vmem>>) target_semaphore(%arg8 : memref<!tpu.dma_semaphore, #tpu.memory_space<semaphore_mem>>)
    %mul3A_23 = arith.constant 16 : i32
    %mul3A_24 = arith.muli %mul3A_23, %arg0 : i32
    %add3A_25 = arith.constant 32 : i32
    %add3A_26 = arith.addi %add3A_25, %mul3A_24 : i32
    %get3A_27 = arith.index_cast %add3A_26 : i32 to index
    %get3A_28 = tpu.vector_load %arg5[%get3A_27] {strides = array<i32>} : memref<224xi32, #tpu.memory_space<vmem>>, vector<16xi32>,
    %iota3A_29 = tpu.iota {dimensions = array<i32: 0>} : vector<16xi32>
    %eq3A_30 = vector.broadcast %arg1 : i32 to vector<16xi32>
    %eq3A_31 = arith.cmpi eq, %iota3A_29, %eq3A_30 : vector<16xi32>
    %jit3A_32 = arith.constant 0 : i32
    %broadcast_in_dim3A_33 = vector.broadcast %jit3A_32 : i32 to vector<16xi32>
    %select_n3A_34 = arith.select %eq3A_31, %get3A_28, %broadcast_in_dim3A_33 : vector<16xi1>, vector<16xi32>
    %reduce_sum3A_35 = arith.constant true
    %reduce_sum3A_36 = vector.broadcast %reduce_sum3A_35 : i1 to vector<16xi1>
    %reduce_sum3A_37 = tpu.scan <sum>, %select_n3A_34 masked %reduce_sum3A_36 : vector<16xi32>, vector<16xi1> -> vector<16xi32>
    %reduce_sum3A_38 = vector.extract %reduce_sum3A_37[15] : i32 from vector<16xi32>
    %and3A_39 = arith.constant 127 : i32
    %and3A_40 = arith.andi %reduce_sum3A_38, %and3A_39 : i32
    %sub3A_41 = arith.subi %reduce_sum3A_38, %and3A_40 : i32
    %multiple_of3A_42 = tpu.assume_multiple %sub3A_41, 128 : i32
    %dma_start3A_43 = arith.constant 1 : i32
    %dma_start3A_44 = arith.constant 0 : i32
    %dma_start3A_45 = arith.constant 0 : i32
    %dma_start3A_46 = tpu.memref_slice %arg6[%dma_start3A_43, %dma_start3A_44, %dma_start3A_45] : memref<7x64x128xf32, #tpu.memory_space<vmem>> -> memref<1x64x128xf32, #tpu.memory_space<vmem>>
    %dma_start3A_47 = tpu.memref_squeeze %dma_start3A_46 : memref<1x64x128xf32, #tpu.memory_space<vmem>> -> memref<64x128xf32, #tpu.memory_space<vmem>>
    %dma_start3A_48 = arith.constant 0 : i32
    %dma_start3A_49 = tpu.memref_slice %arg3[%dma_start3A_48, %multiple_of3A_42] : memref<64x1000000xf32, #tpu.memory_space<hbm>> -> memref<64x128xf32, #tpu.memory_space<hbm>>
    %dma_start3A_50 = arith.constant 0 : i32
    %dma_start3A_51 = arith.constant 0 : i32
    %dma_start3A_52 = tpu.memref_slice %arg6[%dma_start3A_43, %dma_start3A_50, %dma_start3A_51] : memref<7x64x128xf32, #tpu.memory_space<vmem>> -> memref<1x64x128xf32, #tpu.memory_space<vmem>>
    %dma_start3A_53 = tpu.memref_squeeze %dma_start3A_52 : memref<1x64x128xf32, #tpu.memory_space<vmem>> -> memref<64x128xf32, #tpu.memory_space<vmem>>
    %dma_start3A_54 = arith.constant 0 : i32
    %dma_start3A_55 = tpu.memref_slice %arg3[%dma_start3A_54, %multiple_of3A_42] : memref<64x1000000xf32, #tpu.memory_space<hbm>> -> memref<64x128xf32, #tpu.memory_space<hbm>>
    tpu.enqueue_dma source(%dma_start3A_55 : memref<64x128xf32, #tpu.memory_space<hbm>>) target(%dma_start3A_53 : memref<64x128xf32, #tpu.memory_space<vmem>>) target_semaphore(%arg9 : memref<!tpu.dma_semaphore, #tpu.memory_space<semaphore_mem>>)
    %mul3A_56 = arith.constant 16 : i32
    %mul3A_57 = arith.muli %mul3A_56, %arg0 : i32
    %add3A_58 = arith.constant 64 : i32
    %add3A_59 = arith.addi %add3A_58, %mul3A_57 : i32
    %get3A_60 = arith.index_cast %add3A_59 : i32 to index
    %get3A_61 = tpu.vector_load %arg5[%get3A_60] {strides = array<i32>} : memref<224xi32, #tpu.memory_space<vmem>>, vector<16xi32>,
    %iota3A_62 = tpu.iota {dimensions = array<i32: 0>} : vector<16xi32>
    %eq3A_63 = vector.broadcast %arg1 : i32 to vector<16xi32>
    %eq3A_64 = arith.cmpi eq, %iota3A_62, %eq3A_63 : vector<16xi32>
    %jit3A_65 = arith.constant 0 : i32
    %broadcast_in_dim3A_66 = vector.broadcast %jit3A_65 : i32 to vector<16xi32>
    %select_n3A_67 = arith.select %eq3A_64, %get3A_61, %broadcast_in_dim3A_66 : vector<16xi1>, vector<16xi32>
    %reduce_sum3A_68 = arith.constant true
    %reduce_sum3A_69 = vector.broadcast %reduce_sum3A_68 : i1 to vector<16xi1>
    %reduce_sum3A_70 = tpu.scan <sum>, %select_n3A_67 masked %reduce_sum3A_69 : vector<16xi32>, vector<16xi1> -> vector<16xi32>
    %reduce_sum3A_71 = vector.extract %reduce_sum3A_70[15] : i32 from vector<16xi32>
    %and3A_72 = arith.constant 127 : i32
    %and3A_73 = arith.andi %reduce_sum3A_71, %and3A_72 : i32
    %sub3A_74 = arith.subi %reduce_sum3A_71, %and3A_73 : i32
    %multiple_of3A_75 = tpu.assume_multiple %sub3A_74, 128 : i32
    %dma_start3A_76 = arith.constant 2 : i32
    %dma_start3A_77 = arith.constant 0 : i32
    %dma_start3A_78 = arith.constant 0 : i32
    %dma_start3A_79 = tpu.memref_slice %arg6[%dma_start3A_76, %dma_start3A_77, %dma_start3A_78] : memref<7x64x128xf32, #tpu.memory_space<vmem>> -> memref<1x64x128xf32, #tpu.memory_space<vmem>>
    %dma_start3A_80 = tpu.memref_squeeze %dma_start3A_79 : memref<1x64x128xf32, #tpu.memory_space<vmem>> -> memref<64x128xf32, #tpu.memory_space<vmem>>
    %dma_start3A_81 = arith.constant 0 : i32
    %dma_start3A_82 = tpu.memref_slice %arg3[%dma_start3A_81, %multiple_of3A_75] : memref<64x1000000xf32, #tpu.memory_space<hbm>> -> memref<64x128xf32, #tpu.memory_space<hbm>>
    %dma_start3A_83 = arith.constant 0 : i32
    %dma_start3A_84 = arith.constant 0 : i32
    %dma_start3A_85 = tpu.memref_slice %arg6[%dma_start3A_76, %dma_start3A_83, %dma_start3A_84] : memref<7x64x128xf32, #tpu.memory_space<vmem>> -> memref<1x64x128xf32, #tpu.memory_space<vmem>>
    %dma_start3A_86 = tpu.memref_squeeze %dma_start3A_85 : memref<1x64x128xf32, #tpu.memory_space<vmem>> -> memref<64x128xf32, #tpu.memory_space<vmem>>
    %dma_start3A_87 = arith.constant 0 : i32
    %dma_start3A_88 = tpu.memref_slice %arg3[%dma_start3A_87, %multiple_of3A_75] : memref<64x1000000xf32, #tpu.memory_space<hbm>> -> memref<64x128xf32, #tpu.memory_space<hbm>>
    tpu.enqueue_dma source(%dma_start3A_88 : memref<64x128xf32, #tpu.memory_space<hbm>>) target(%dma_start3A_86 : memref<64x128xf32, #tpu.memory_space<vmem>>) target_semaphore(%arg10 : memref<!tpu.dma_semaphore, #tpu.memory_space<semaphore_mem>>)
    %mul3A_89 = arith.constant 16 : i32
    %mul3A_90 = arith.muli %mul3A_89, %arg0 : i32
    %add3A_91 = arith.constant 96 : i32
    %add3A_92 = arith.addi %add3A_91, %mul3A_90 : i32
    %get3A_93 = arith.index_cast %add3A_92 : i32 to index
    %get3A_94 = tpu.vector_load %arg5[%get3A_93] {strides = array<i32>} : memref<224xi32, #tpu.memory_space<vmem>>, vector<16xi32>,
    %iota3A_95 = tpu.iota {dimensions = array<i32: 0>} : vector<16xi32>
    %eq3A_96 = vector.broadcast %arg1 : i32 to vector<16xi32>
    %eq3A_97 = arith.cmpi eq, %iota3A_95, %eq3A_96 : vector<16xi32>
    %jit3A_98 = arith.constant 0 : i32
    %broadcast_in_dim3A_99 = vector.broadcast %jit3A_98 : i32 to vector<16xi32>
    %select_n3A_100 = arith.select %eq3A_97, %get3A_94, %broadcast_in_dim3A_99 : vector<16xi1>, vector<16xi32>
    %reduce_sum3A_101 = arith.constant true
    %reduce_sum3A_102 = vector.broadcast %reduce_sum3A_101 : i1 to vector<16xi1>
    %reduce_sum3A_103 = tpu.scan <sum>, %select_n3A_100 masked %reduce_sum3A_102 : vector<16xi32>, vector<16xi1> -> vector<16xi32>
    %reduce_sum3A_104 = vector.extract %reduce_sum3A_103[15] : i32 from vector<16xi32>
    %and3A_105 = arith.constant 127 : i32
    %and3A_106 = arith.andi %reduce_sum3A_104, %and3A_105 : i32
    %sub3A_107 = arith.subi %reduce_sum3A_104, %and3A_106 : i32
    %multiple_of3A_108 = tpu.assume_multiple %sub3A_107, 128 : i32
    %dma_start3A_109 = arith.constant 3 : i32
    %dma_start3A_110 = arith.constant 0 : i32
    %dma_start3A_111 = arith.constant 0 : i32
    %dma_start3A_112 = tpu.memref_slice %arg6[%dma_start3A_109, %dma_start3A_110, %dma_start3A_111] : memref<7x64x128xf32, #tpu.memory_space<vmem>> -> memref<1x64x128xf32, #tpu.memory_space<vmem>>
    %dma_start3A_113 = tpu.memref_squeeze %dma_start3A_112 : memref<1x64x128xf32, #tpu.memory_space<vmem>> -> memref<64x128xf32, #tpu.memory_space<vmem>>
    %dma_start3A_114 = arith.constant 0 : i32
    %dma_start3A_115 = tpu.memref_slice %arg3[%dma_start3A_114, %multiple_of3A_108] : memref<64x1000000xf32, #tpu.memory_space<hbm>> -> memref<64x128xf32, #tpu.memory_space<hbm>>
    %dma_start3A_116 = arith.constant 0 : i32
    %dma_start3A_117 = arith.constant 0 : i32
    %dma_start3A_118 = tpu.memref_slice %arg6[%dma_start3A_109, %dma_start3A_116, %dma_start3A_117] : memref<7x64x128xf32, #tpu.memory_space<vmem>> -> memref<1x64x128xf32, #tpu.memory_space<vmem>>
    %dma_start3A_119 = tpu.memref_squeeze %dma_start3A_118 : memref<1x64x128xf32, #tpu.memory_space<vmem>> -> memref<64x128xf32, #tpu.memory_space<vmem>>
    %dma_start3A_120 = arith.constant 0 : i32
    %dma_start3A_121 = tpu.memref_slice %arg3[%dma_start3A_120, %multiple_of3A_108] : memref<64x1000000xf32, #tpu.memory_space<hbm>> -> memref<64x128xf32, #tpu.memory_space<hbm>>
    tpu.enqueue_dma source(%dma_start3A_121 : memref<64x128xf32, #tpu.memory_space<hbm>>) target(%dma_start3A_119 : memref<64x128xf32, #tpu.memory_space<vmem>>) target_semaphore(%arg11 : memref<!tpu.dma_semaphore, #tpu.memory_space<semaphore_mem>>)
    %mul3A_122 = arith.constant 16 : i32
    %mul3A_123 = arith.muli %mul3A_122, %arg0 : i32
    %add3A_124 = arith.constant 128 : i32
    %add3A_125 = arith.addi %add3A_124, %mul3A_123 : i32
    %get3A_126 = arith.index_cast %add3A_125 : i32 to index
    %get3A_127 = tpu.vector_load %arg5[%get3A_126] {strides = array<i32>} : memref<224xi32, #tpu.memory_space<vmem>>, vector<16xi32>,
    %iota3A_128 = tpu.iota {dimensions = array<i32: 0>} : vector<16xi32>
    %eq3A_129 = vector.broadcast %arg1 : i32 to vector<16xi32>
    %eq3A_130 = arith.cmpi eq, %iota3A_128, %eq3A_129 : vector<16xi32>
    %jit3A_131 = arith.constant 0 : i32
    %broadcast_in_dim3A_132 = vector.broadcast %jit3A_131 : i32 to vector<16xi32>
    %select_n3A_133 = arith.select %eq3A_130, %get3A_127, %broadcast_in_dim3A_132 : vector<16xi1>, vector<16xi32>
    %reduce_sum3A_134 = arith.constant true
    %reduce_sum3A_135 = vector.broadcast %reduce_sum3A_134 : i1 to vector<16xi1>
    %reduce_sum3A_136 = tpu.scan <sum>, %select_n3A_133 masked %reduce_sum3A_135 : vector<16xi32>, vector<16xi1> -> vector<16xi32>
    %reduce_sum3A_137 = vector.extract %reduce_sum3A_136[15] : i32 from vector<16xi32>
    %and3A_138 = arith.constant 127 : i32
    %and3A_139 = arith.andi %reduce_sum3A_137, %and3A_138 : i32
    %sub3A_140 = arith.subi %reduce_sum3A_137, %and3A_139 : i32
    %multiple_of3A_141 = tpu.assume_multiple %sub3A_140, 128 : i32
    %dma_start3A_142 = arith.constant 4 : i32
    %dma_start3A_143 = arith.constant 0 : i32
    %dma_start3A_144 = arith.constant 0 : i32
    %dma_start3A_145 = tpu.memref_slice %arg6[%dma_start3A_142, %dma_start3A_143, %dma_start3A_144] : memref<7x64x128xf32, #tpu.memory_space<vmem>> -> memref<1x64x128xf32, #tpu.memory_space<vmem>>
    %dma_start3A_146 = tpu.memref_squeeze %dma_start3A_145 : memref<1x64x128xf32, #tpu.memory_space<vmem>> -> memref<64x128xf32, #tpu.memory_space<vmem>>
    %dma_start3A_147 = arith.constant 0 : i32
    %dma_start3A_148 = tpu.memref_slice %arg3[%dma_start3A_147, %multiple_of3A_141] : memref<64x1000000xf32, #tpu.memory_space<hbm>> -> memref<64x128xf32, #tpu.memory_space<hbm>>
    %dma_start3A_149 = arith.constant 0 : i32
    %dma_start3A_150 = arith.constant 0 : i32
    %dma_start3A_151 = tpu.memref_slice %arg6[%dma_start3A_142, %dma_start3A_149, %dma_start3A_150] : memref<7x64x128xf32, #tpu.memory_space<vmem>> -> memref<1x64x128xf32, #tpu.memory_space<vmem>>
    %dma_start3A_152 = tpu.memref_squeeze %dma_start3A_151 : memref<1x64x128xf32, #tpu.memory_space<vmem>> -> memref<64x128xf32, #tpu.memory_space<vmem>>
    %dma_start3A_153 = arith.constant 0 : i32
    %dma_start3A_154 = tpu.memref_slice %arg3[%dma_start3A_153, %multiple_of3A_141] : memref<64x1000000xf32, #tpu.memory_space<hbm>> -> memref<64x128xf32, #tpu.memory_space<hbm>>
    tpu.enqueue_dma source(%dma_start3A_154 : memref<64x128xf32, #tpu.memory_space<hbm>>) target(%dma_start3A_152 : memref<64x128xf32, #tpu.memory_space<vmem>>) target_semaphore(%arg12 : memref<!tpu.dma_semaphore, #tpu.memory_space<semaphore_mem>>)
    %mul3A_155 = arith.constant 16 : i32
    %mul3A_156 = arith.muli %mul3A_155, %arg0 : i32
    %add3A_157 = arith.constant 160 : i32
    %add3A_158 = arith.addi %add3A_157, %mul3A_156 : i32
    %get3A_159 = arith.index_cast %add3A_158 : i32 to index
    %get3A_160 = tpu.vector_load %arg5[%get3A_159] {strides = array<i32>} : memref<224xi32, #tpu.memory_space<vmem>>, vector<16xi32>,
    %iota3A_161 = tpu.iota {dimensions = array<i32: 0>} : vector<16xi32>
    %eq3A_162 = vector.broadcast %arg1 : i32 to vector<16xi32>
    %eq3A_163 = arith.cmpi eq, %iota3A_161, %eq3A_162 : vector<16xi32>
    %jit3A_164 = arith.constant 0 : i32
    %broadcast_in_dim3A_165 = vector.broadcast %jit3A_164 : i32 to vector<16xi32>
    %select_n3A_166 = arith.select %eq3A_163, %get3A_160, %broadcast_in_dim3A_165 : vector<16xi1>, vector<16xi32>
    %reduce_sum3A_167 = arith.constant true
    %reduce_sum3A_168 = vector.broadcast %reduce_sum3A_167 : i1 to vector<16xi1>
    %reduce_sum3A_169 = tpu.scan <sum>, %select_n3A_166 masked %reduce_sum3A_168 : vector<16xi32>, vector<16xi1> -> vector<16xi32>
    %reduce_sum3A_170 = vector.extract %reduce_sum3A_169[15] : i32 from vector<16xi32>
    %and3A_171 = arith.constant 127 : i32
    %and3A_172 = arith.andi %reduce_sum3A_170, %and3A_171 : i32
    %sub3A_173 = arith.subi %reduce_sum3A_170, %and3A_172 : i32
    %multiple_of3A_174 = tpu.assume_multiple %sub3A_173, 128 : i32
    %dma_start3A_175 = arith.constant 5 : i32
    %dma_start3A_176 = arith.constant 0 : i32
    %dma_start3A_177 = arith.constant 0 : i32
    %dma_start3A_178 = tpu.memref_slice %arg6[%dma_start3A_175, %dma_start3A_176, %dma_start3A_177] : memref<7x64x128xf32, #tpu.memory_space<vmem>> -> memref<1x64x128xf32, #tpu.memory_space<vmem>>
    %dma_start3A_179 = tpu.memref_squeeze %dma_start3A_178 : memref<1x64x128xf32, #tpu.memory_space<vmem>> -> memref<64x128xf32, #tpu.memory_space<vmem>>
    %dma_start3A_180 = arith.constant 0 : i32
    %dma_start3A_181 = tpu.memref_slice %arg3[%dma_start3A_180, %multiple_of3A_174] : memref<64x1000000xf32, #tpu.memory_space<hbm>> -> memref<64x128xf32, #tpu.memory_space<hbm>>
    %dma_start3A_182 = arith.constant 0 : i32
    %dma_start3A_183 = arith.constant 0 : i32
    %dma_start3A_184 = tpu.memref_slice %arg6[%dma_start3A_175, %dma_start3A_182, %dma_start3A_183] : memref<7x64x128xf32, #tpu.memory_space<vmem>> -> memref<1x64x128xf32, #tpu.memory_space<vmem>>
    %dma_start3A_185 = tpu.memref_squeeze %dma_start3A_184 : memref<1x64x128xf32, #tpu.memory_space<vmem>> -> memref<64x128xf32, #tpu.memory_space<vmem>>
    %dma_start3A_186 = arith.constant 0 : i32
    %dma_start3A_187 = tpu.memref_slice %arg3[%dma_start3A_186, %multiple_of3A_174] : memref<64x1000000xf32, #tpu.memory_space<hbm>> -> memref<64x128xf32, #tpu.memory_space<hbm>>
    tpu.enqueue_dma source(%dma_start3A_187 : memref<64x128xf32, #tpu.memory_space<hbm>>) target(%dma_start3A_185 : memref<64x128xf32, #tpu.memory_space<vmem>>) target_semaphore(%arg13 : memref<!tpu.dma_semaphore, #tpu.memory_space<semaphore_mem>>)
    %add3A_188 = arith.constant 192 : i32
    %add3A_189 = arith.addi %add3A, %add3A_188 : i32
    %lt3A = arith.constant 200 : i32
    %lt3A_190 = arith.cmpi slt, %add3A_189, %lt3A : i32
    %convert_element_type3A = arith.extui %lt3A_190 : i1 to i32
    %cond3A = arith.constant 0 : i32
    %cond3A_191 = arith.cmpi ne, %convert_element_type3A, %cond3A : i32
    scf.if %cond3A_191 {
      %mul3A_788 = arith.constant 16 : i32
      %mul3A_789 = arith.muli %mul3A_788, %arg0 : i32
      %add3A_790 = arith.constant 192 : i32
      %add3A_791 = arith.addi %add3A_790, %mul3A_789 : i32
      %get3A_792 = arith.index_cast %add3A_791 : i32 to index
      %get3A_793 = tpu.vector_load %arg5[%get3A_792] {strides = array<i32>} : memref<224xi32, #tpu.memory_space<vmem>>, vector<16xi32>,
      %iota3A_794 = tpu.iota {dimensions = array<i32: 0>} : vector<16xi32>
      %eq3A_795 = vector.broadcast %arg1 : i32 to vector<16xi32>
      %eq3A_796 = arith.cmpi eq, %iota3A_794, %eq3A_795 : vector<16xi32>
      %jit3A_797 = arith.constant 0 : i32
      %broadcast_in_dim3A_798 = vector.broadcast %jit3A_797 : i32 to vector<16xi32>
      %select_n3A_799 = arith.select %eq3A_796, %get3A_793, %broadcast_in_dim3A_798 : vector<16xi1>, vector<16xi32>
      %reduce_sum3A_800 = arith.constant true
      %reduce_sum3A_801 = vector.broadcast %reduce_sum3A_800 : i1 to vector<16xi1>
      %reduce_sum3A_802 = tpu.scan <sum>, %select_n3A_799 masked %reduce_sum3A_801 : vector<16xi32>, vector<16xi1> -> vector<16xi32>
      %reduce_sum3A_803 = vector.extract %reduce_sum3A_802[15] : i32 from vector<16xi32>
      %and3A_804 = arith.constant 127 : i32
      %and3A_805 = arith.andi %reduce_sum3A_803, %and3A_804 : i32
      %sub3A_806 = arith.subi %reduce_sum3A_803, %and3A_805 : i32
      %multiple_of3A_807 = tpu.assume_multiple %sub3A_806, 128 : i32
      %dma_start3A_808 = arith.constant 6 : i32
      %dma_start3A_809 = arith.constant 0 : i32
      %dma_start3A_810 = arith.constant 0 : i32
      %dma_start3A_811 = tpu.memref_slice %arg6[%dma_start3A_808, %dma_start3A_809, %dma_start3A_810] : memref<7x64x128xf32, #tpu.memory_space<vmem>> -> memref<1x64x128xf32, #tpu.memory_space<vmem>>
      %dma_start3A_812 = tpu.memref_squeeze %dma_start3A_811 : memref<1x64x128xf32, #tpu.memory_space<vmem>> -> memref<64x128xf32, #tpu.memory_space<vmem>>
      %dma_start3A_813 = arith.constant 0 : i32
      %dma_start3A_814 = tpu.memref_slice %arg3[%dma_start3A_813, %multiple_of3A_807] : memref<64x1000000xf32, #tpu.memory_space<hbm>> -> memref<64x128xf32, #tpu.memory_space<hbm>>
      %dma_start3A_815 = arith.constant 0 : i32
      %dma_start3A_816 = arith.constant 0 : i32
      %dma_start3A_817 = tpu.memref_slice %arg6[%dma_start3A_808, %dma_start3A_815, %dma_start3A_816] : memref<7x64x128xf32, #tpu.memory_space<vmem>> -> memref<1x64x128xf32, #tpu.memory_space<vmem>>
      %dma_start3A_818 = tpu.memref_squeeze %dma_start3A_817 : memref<1x64x128xf32, #tpu.memory_space<vmem>> -> memref<64x128xf32, #tpu.memory_space<vmem>>
      %dma_start3A_819 = arith.constant 0 : i32
      %dma_start3A_820 = tpu.memref_slice %arg3[%dma_start3A_819, %multiple_of3A_807] : memref<64x1000000xf32, #tpu.memory_space<hbm>> -> memref<64x128xf32, #tpu.memory_space<hbm>>
      tpu.enqueue_dma source(%dma_start3A_820 : memref<64x128xf32, #tpu.memory_space<hbm>>) target(%dma_start3A_818 : memref<64x128xf32, #tpu.memory_space<vmem>>) target_semaphore(%arg14 : memref<!tpu.dma_semaphore, #tpu.memory_space<semaphore_mem>>)
    } else {
    }
    %broadcast_in_dim3A_192 = arith.constant 0.000000e+00 : f32
    %broadcast_in_dim3A_193 = vector.broadcast %broadcast_in_dim3A_192 : f32 to vector<16xf32>
    %broadcast_in_dim3A_194 = arith.constant 0.000000e+00 : f32
    %broadcast_in_dim3A_195 = vector.broadcast %broadcast_in_dim3A_194 : f32 to vector<16xf32>
    %broadcast_in_dim3A_196 = arith.constant 0.000000e+00 : f32
    %broadcast_in_dim3A_197 = vector.broadcast %broadcast_in_dim3A_196 : f32 to vector<16xf32>
    %broadcast_in_dim3A_198 = arith.constant 0.000000e+00 : f32
    %broadcast_in_dim3A_199 = vector.broadcast %broadcast_in_dim3A_198 : f32 to vector<16xf32>
    %dma_wait3A = arith.constant 0 : i32
    %dma_wait3A_200 = arith.constant 0 : i32
    %dma_wait3A_201 = arith.constant 0 : i32
    %dma_wait3A_202 = tpu.memref_slice %arg6[%dma_wait3A, %dma_wait3A_200, %dma_wait3A_201] : memref<7x64x128xf32, #tpu.memory_space<vmem>> -> memref<1x64x128xf32, #tpu.memory_space<vmem>>
    %dma_wait3A_203 = tpu.memref_squeeze %dma_wait3A_202 : memref<1x64x128xf32, #tpu.memory_space<vmem>> -> memref<64x128xf32, #tpu.memory_space<vmem>>
    %dma_wait3A_204 = arith.constant 0 : i32
    %dma_wait3A_205 = arith.constant 0 : i32
    %dma_wait3A_206 = tpu.memref_slice %arg3[%dma_wait3A_204, %dma_wait3A_205] : memref<64x1000000xf32, #tpu.memory_space<hbm>> -> memref<64x128xf32, #tpu.memory_space<hbm>>
    %dma_wait3A_207 = arith.constant 0 : i32
    %dma_wait3A_208 = arith.constant 0 : i32
    %dma_wait3A_209 = tpu.memref_slice %arg6[%dma_wait3A, %dma_wait3A_207, %dma_wait3A_208] : memref<7x64x128xf32, #tpu.memory_space<vmem>> -> memref<1x64x128xf32, #tpu.memory_space<vmem>>
    %dma_wait3A_210 = tpu.memref_squeeze %dma_wait3A_209 : memref<1x64x128xf32, #tpu.memory_space<vmem>> -> memref<64x128xf32, #tpu.memory_space<vmem>>
    %dma_wait3A_211 = arith.constant 0 : i32
    %dma_wait3A_212 = arith.constant 0 : i32
    %dma_wait3A_213 = tpu.memref_slice %arg3[%dma_wait3A_211, %dma_wait3A_212] : memref<64x1000000xf32, #tpu.memory_space<hbm>> -> memref<64x128xf32, #tpu.memory_space<hbm>>
    tpu.wait_dma2 semaphore(%arg8 : memref<!tpu.dma_semaphore, #tpu.memory_space<semaphore_mem>>) src(%dma_wait3A_213 : memref<64x128xf32, #tpu.memory_space<hbm>>) dst(%dma_wait3A_210 : memref<64x128xf32, #tpu.memory_space<vmem>>)
    %mul3A_214 = arith.constant 16 : i32
    %mul3A_215 = arith.muli %mul3A_214, %arg0 : i32
    %add3A_216 = arith.constant 0 : i32
    %add3A_217 = arith.addi %add3A_216, %mul3A_215 : i32
    %get3A_218 = arith.index_cast %add3A_217 : i32 to index
    %get3A_219 = tpu.vector_load %arg5[%get3A_218] {strides = array<i32>} : memref<224xi32, #tpu.memory_space<vmem>>, vector<16xi32>,
    %iota3A_220 = tpu.iota {dimensions = array<i32: 0>} : vector<16xi32>
    %eq3A_221 = vector.broadcast %arg1 : i32 to vector<16xi32>
    %eq3A_222 = arith.cmpi eq, %iota3A_220, %eq3A_221 : vector<16xi32>
    %jit3A_223 = arith.constant 0 : i32
    %broadcast_in_dim3A_224 = vector.broadcast %jit3A_223 : i32 to vector<16xi32>
    %select_n3A_225 = arith.select %eq3A_222, %get3A_219, %broadcast_in_dim3A_224 : vector<16xi1>, vector<16xi32>
    %reduce_sum3A_226 = arith.constant true
    %reduce_sum3A_227 = vector.broadcast %reduce_sum3A_226 : i1 to vector<16xi1>
    %reduce_sum3A_228 = tpu.scan <sum>, %select_n3A_225 masked %reduce_sum3A_227 : vector<16xi32>, vector<16xi1> -> vector<16xi32>
    %reduce_sum3A_229 = vector.extract %reduce_sum3A_228[15] : i32 from vector<16xi32>
    %and3A_230 = arith.constant 127 : i32
    %and3A_231 = arith.andi %reduce_sum3A_229, %and3A_230 : i32
    %sub3A_232 = arith.subi %reduce_sum3A_229, %and3A_231 : i32
    %multiple_of3A_233 = tpu.assume_multiple %sub3A_232, 128 : i32
    %sub3A_234 = arith.subi %reduce_sum3A_229, %multiple_of3A_233 : i32
    %broadcast_in_dim3A_235 = vector.broadcast %sub3A_234 : i32 to vector<16xi32>
    %iota3A_236 = tpu.iota {dimensions = array<i32: 0>} : vector<16xi32>
    %add3A_237 = arith.constant 0 : i32
    %add3A_238 = vector.broadcast %add3A_237 : i32 to vector<16xi32>
    %add3A_239 = arith.addi %iota3A_236, %add3A_238 : vector<16xi32>
    %gather3A = arith.constant 0 : i32
    %gather3A_240 = arith.constant 0 : i32
    %gather3A_241 = arith.constant 0 : i32
    %gather3A_242 = tpu.memref_slice %arg6[%gather3A, %gather3A_240, %gather3A_241] : memref<7x64x128xf32, #tpu.memory_space<vmem>> -> memref<1x64x128xf32, #tpu.memory_space<vmem>>
    %gather3A_243 = tpu.memref_squeeze %gather3A_242 : memref<1x64x128xf32, #tpu.memory_space<vmem>> -> memref<64x128xf32, #tpu.memory_space<vmem>>
    %gather3A_244 = tpu.vector_load_idx %gather3A_243[%add3A_239, %broadcast_in_dim3A_235] : memref<64x128xf32, #tpu.memory_space<vmem>>[vector<16xi32>, vector<16xi32>], vector<16xf32>,
    %add3A_245 = arith.addf %broadcast_in_dim3A_193, %gather3A_244 : vector<16xf32>
    %iota3A_246 = tpu.iota {dimensions = array<i32: 0>} : vector<16xi32>
    %add3A_247 = arith.constant 16 : i32
    %add3A_248 = vector.broadcast %add3A_247 : i32 to vector<16xi32>
    %add3A_249 = arith.addi %iota3A_246, %add3A_248 : vector<16xi32>
    %gather3A_250 = arith.constant 0 : i32
    %gather3A_251 = arith.constant 0 : i32
    %gather3A_252 = arith.constant 0 : i32
    %gather3A_253 = tpu.memref_slice %arg6[%gather3A_250, %gather3A_251, %gather3A_252] : memref<7x64x128xf32, #tpu.memory_space<vmem>> -> memref<1x64x128xf32, #tpu.memory_space<vmem>>
    %gather3A_254 = tpu.memref_squeeze %gather3A_253 : memref<1x64x128xf32, #tpu.memory_space<vmem>> -> memref<64x128xf32, #tpu.memory_space<vmem>>
    %gather3A_255 = tpu.vector_load_idx %gather3A_254[%add3A_249, %broadcast_in_dim3A_235] : memref<64x128xf32, #tpu.memory_space<vmem>>[vector<16xi32>, vector<16xi32>], vector<16xf32>,
    %add3A_256 = arith.addf %broadcast_in_dim3A_195, %gather3A_255 : vector<16xf32>
    %iota3A_257 = tpu.iota {dimensions = array<i32: 0>} : vector<16xi32>
    %add3A_258 = arith.constant 32 : i32
    %add3A_259 = vector.broadcast %add3A_258 : i32 to vector<16xi32>
    %add3A_260 = arith.addi %iota3A_257, %add3A_259 : vector<16xi32>
    %gather3A_261 = arith.constant 0 : i32
    %gather3A_262 = arith.constant 0 : i32
    %gather3A_263 = arith.constant 0 : i32
    %gather3A_264 = tpu.memref_slice %arg6[%gather3A_261, %gather3A_262, %gather3A_263] : memref<7x64x128xf32, #tpu.memory_space<vmem>> -> memref<1x64x128xf32, #tpu.memory_space<vmem>>
    %gather3A_265 = tpu.memref_squeeze %gather3A_264 : memref<1x64x128xf32, #tpu.memory_space<vmem>> -> memref<64x128xf32, #tpu.memory_space<vmem>>
    %gather3A_266 = tpu.vector_load_idx %gather3A_265[%add3A_260, %broadcast_in_dim3A_235] : memref<64x128xf32, #tpu.memory_space<vmem>>[vector<16xi32>, vector<16xi32>], vector<16xf32>,
    %add3A_267 = arith.addf %broadcast_in_dim3A_197, %gather3A_266 : vector<16xf32>
    %iota3A_268 = tpu.iota {dimensions = array<i32: 0>} : vector<16xi32>
    %add3A_269 = arith.constant 48 : i32
    %add3A_270 = vector.broadcast %add3A_269 : i32 to vector<16xi32>
    %add3A_271 = arith.addi %iota3A_268, %add3A_270 : vector<16xi32>
    %gather3A_272 = arith.constant 0 : i32
    %gather3A_273 = arith.constant 0 : i32
    %gather3A_274 = arith.constant 0 : i32
    %gather3A_275 = tpu.memref_slice %arg6[%gather3A_272, %gather3A_273, %gather3A_274] : memref<7x64x128xf32, #tpu.memory_space<vmem>> -> memref<1x64x128xf32, #tpu.memory_space<vmem>>
    %gather3A_276 = tpu.memref_squeeze %gather3A_275 : memref<1x64x128xf32, #tpu.memory_space<vmem>> -> memref<64x128xf32, #tpu.memory_space<vmem>>
    %gather3A_277 = tpu.vector_load_idx %gather3A_276[%add3A_271, %broadcast_in_dim3A_235] : memref<64x128xf32, #tpu.memory_space<vmem>>[vector<16xi32>, vector<16xi32>], vector<16xf32>,
    %add3A_278 = arith.addf %broadcast_in_dim3A_199, %gather3A_277 : vector<16xf32>
    %dma_wait3A_279 = arith.constant 1 : i32
    %dma_wait3A_280 = arith.constant 0 : i32
    %dma_wait3A_281 = arith.constant 0 : i32
    %dma_wait3A_282 = tpu.memref_slice %arg6[%dma_wait3A_279, %dma_wait3A_280, %dma_wait3A_281] : memref<7x64x128xf32, #tpu.memory_space<vmem>> -> memref<1x64x128xf32, #tpu.memory_space<vmem>>
    %dma_wait3A_283 = tpu.memref_squeeze %dma_wait3A_282 : memref<1x64x128xf32, #tpu.memory_space<vmem>> -> memref<64x128xf32, #tpu.memory_space<vmem>>
    %dma_wait3A_284 = arith.constant 0 : i32
    %dma_wait3A_285 = arith.constant 0 : i32
    %dma_wait3A_286 = tpu.memref_slice %arg3[%dma_wait3A_284, %dma_wait3A_285] : memref<64x1000000xf32, #tpu.memory_space<hbm>> -> memref<64x128xf32, #tpu.memory_space<hbm>>
    %dma_wait3A_287 = arith.constant 0 : i32
    %dma_wait3A_288 = arith.constant 0 : i32
    %dma_wait3A_289 = tpu.memref_slice %arg6[%dma_wait3A_279, %dma_wait3A_287, %dma_wait3A_288] : memref<7x64x128xf32, #tpu.memory_space<vmem>> -> memref<1x64x128xf32, #tpu.memory_space<vmem>>
    %dma_wait3A_290 = tpu.memref_squeeze %dma_wait3A_289 : memref<1x64x128xf32, #tpu.memory_space<vmem>> -> memref<64x128xf32, #tpu.memory_space<vmem>>
    %dma_wait3A_291 = arith.constant 0 : i32
    %dma_wait3A_292 = arith.constant 0 : i32
    %dma_wait3A_293 = tpu.memref_slice %arg3[%dma_wait3A_291, %dma_wait3A_292] : memref<64x1000000xf32, #tpu.memory_space<hbm>> -> memref<64x128xf32, #tpu.memory_space<hbm>>
    tpu.wait_dma2 semaphore(%arg9 : memref<!tpu.dma_semaphore, #tpu.memory_space<semaphore_mem>>) src(%dma_wait3A_293 : memref<64x128xf32, #tpu.memory_space<hbm>>) dst(%dma_wait3A_290 : memref<64x128xf32, #tpu.memory_space<vmem>>)
    %mul3A_294 = arith.constant 16 : i32
    %mul3A_295 = arith.muli %mul3A_294, %arg0 : i32
    %add3A_296 = arith.constant 32 : i32
    %add3A_297 = arith.addi %add3A_296, %mul3A_295 : i32
    %get3A_298 = arith.index_cast %add3A_297 : i32 to index
    %get3A_299 = tpu.vector_load %arg5[%get3A_298] {strides = array<i32>} : memref<224xi32, #tpu.memory_space<vmem>>, vector<16xi32>,
    %iota3A_300 = tpu.iota {dimensions = array<i32: 0>} : vector<16xi32>
    %eq3A_301 = vector.broadcast %arg1 : i32 to vector<16xi32>
    %eq3A_302 = arith.cmpi eq, %iota3A_300, %eq3A_301 : vector<16xi32>
    %jit3A_303 = arith.constant 0 : i32
    %broadcast_in_dim3A_304 = vector.broadcast %jit3A_303 : i32 to vector<16xi32>
    %select_n3A_305 = arith.select %eq3A_302, %get3A_299, %broadcast_in_dim3A_304 : vector<16xi1>, vector<16xi32>
    %reduce_sum3A_306 = arith.constant true
    %reduce_sum3A_307 = vector.broadcast %reduce_sum3A_306 : i1 to vector<16xi1>
    %reduce_sum3A_308 = tpu.scan <sum>, %select_n3A_305 masked %reduce_sum3A_307 : vector<16xi32>, vector<16xi1> -> vector<16xi32>
    %reduce_sum3A_309 = vector.extract %reduce_sum3A_308[15] : i32 from vector<16xi32>
    %and3A_310 = arith.constant 127 : i32
    %and3A_311 = arith.andi %reduce_sum3A_309, %and3A_310 : i32
    %sub3A_312 = arith.subi %reduce_sum3A_309, %and3A_311 : i32
    %multiple_of3A_313 = tpu.assume_multiple %sub3A_312, 128 : i32
    %sub3A_314 = arith.subi %reduce_sum3A_309, %multiple_of3A_313 : i32
    %broadcast_in_dim3A_315 = vector.broadcast %sub3A_314 : i32 to vector<16xi32>
    %iota3A_316 = tpu.iota {dimensions = array<i32: 0>} : vector<16xi32>
    %add3A_317 = arith.constant 0 : i32
    %add3A_318 = vector.broadcast %add3A_317 : i32 to vector<16xi32>
    %add3A_319 = arith.addi %iota3A_316, %add3A_318 : vector<16xi32>
    %gather3A_320 = arith.constant 1 : i32
    %gather3A_321 = arith.constant 0 : i32
    %gather3A_322 = arith.constant 0 : i32
    %gather3A_323 = tpu.memref_slice %arg6[%gather3A_320, %gather3A_321, %gather3A_322] : memref<7x64x128xf32, #tpu.memory_space<vmem>> -> memref<1x64x128xf32, #tpu.memory_space<vmem>>
    %gather3A_324 = tpu.memref_squeeze %gather3A_323 : memref<1x64x128xf32, #tpu.memory_space<vmem>> -> memref<64x128xf32, #tpu.memory_space<vmem>>
    %gather3A_325 = tpu.vector_load_idx %gather3A_324[%add3A_319, %broadcast_in_dim3A_315] : memref<64x128xf32, #tpu.memory_space<vmem>>[vector<16xi32>, vector<16xi32>], vector<16xf32>,
    %add3A_326 = arith.addf %add3A_245, %gather3A_325 : vector<16xf32>
    %iota3A_327 = tpu.iota {dimensions = array<i32: 0>} : vector<16xi32>
    %add3A_328 = arith.constant 16 : i32
    %add3A_329 = vector.broadcast %add3A_328 : i32 to vector<16xi32>
    %add3A_330 = arith.addi %iota3A_327, %add3A_329 : vector<16xi32>
    %gather3A_331 = arith.constant 1 : i32
    %gather3A_332 = arith.constant 0 : i32
    %gather3A_333 = arith.constant 0 : i32
    %gather3A_334 = tpu.memref_slice %arg6[%gather3A_331, %gather3A_332, %gather3A_333] : memref<7x64x128xf32, #tpu.memory_space<vmem>> -> memref<1x64x128xf32, #tpu.memory_space<vmem>>
    %gather3A_335 = tpu.memref_squeeze %gather3A_334 : memref<1x64x128xf32, #tpu.memory_space<vmem>> -> memref<64x128xf32, #tpu.memory_space<vmem>>
    %gather3A_336 = tpu.vector_load_idx %gather3A_335[%add3A_330, %broadcast_in_dim3A_315] : memref<64x128xf32, #tpu.memory_space<vmem>>[vector<16xi32>, vector<16xi32>], vector<16xf32>,
    %add3A_337 = arith.addf %add3A_256, %gather3A_336 : vector<16xf32>
    %iota3A_338 = tpu.iota {dimensions = array<i32: 0>} : vector<16xi32>
    %add3A_339 = arith.constant 32 : i32
    %add3A_340 = vector.broadcast %add3A_339 : i32 to vector<16xi32>
    %add3A_341 = arith.addi %iota3A_338, %add3A_340 : vector<16xi32>
    %gather3A_342 = arith.constant 1 : i32
    %gather3A_343 = arith.constant 0 : i32
    %gather3A_344 = arith.constant 0 : i32
    %gather3A_345 = tpu.memref_slice %arg6[%gather3A_342, %gather3A_343, %gather3A_344] : memref<7x64x128xf32, #tpu.memory_space<vmem>> -> memref<1x64x128xf32, #tpu.memory_space<vmem>>
    %gather3A_346 = tpu.memref_squeeze %gather3A_345 : memref<1x64x128xf32, #tpu.memory_space<vmem>> -> memref<64x128xf32, #tpu.memory_space<vmem>>
    %gather3A_347 = tpu.vector_load_idx %gather3A_346[%add3A_341, %broadcast_in_dim3A_315] : memref<64x128xf32, #tpu.memory_space<vmem>>[vector<16xi32>, vector<16xi32>], vector<16xf32>,
    %add3A_348 = arith.addf %add3A_267, %gather3A_347 : vector<16xf32>
    %iota3A_349 = tpu.iota {dimensions = array<i32: 0>} : vector<16xi32>
    %add3A_350 = arith.constant 48 : i32
    %add3A_351 = vector.broadcast %add3A_350 : i32 to vector<16xi32>
    %add3A_352 = arith.addi %iota3A_349, %add3A_351 : vector<16xi32>
    %gather3A_353 = arith.constant 1 : i32
    %gather3A_354 = arith.constant 0 : i32
    %gather3A_355 = arith.constant 0 : i32
    %gather3A_356 = tpu.memref_slice %arg6[%gather3A_353, %gather3A_354, %gather3A_355] : memref<7x64x128xf32, #tpu.memory_space<vmem>> -> memref<1x64x128xf32, #tpu.memory_space<vmem>>
    %gather3A_357 = tpu.memref_squeeze %gather3A_356 : memref<1x64x128xf32, #tpu.memory_space<vmem>> -> memref<64x128xf32, #tpu.memory_space<vmem>>
    %gather3A_358 = tpu.vector_load_idx %gather3A_357[%add3A_352, %broadcast_in_dim3A_315] : memref<64x128xf32, #tpu.memory_space<vmem>>[vector<16xi32>, vector<16xi32>], vector<16xf32>,
    %add3A_359 = arith.addf %add3A_278, %gather3A_358 : vector<16xf32>
    %dma_wait3A_360 = arith.constant 2 : i32
    %dma_wait3A_361 = arith.constant 0 : i32
    %dma_wait3A_362 = arith.constant 0 : i32
    %dma_wait3A_363 = tpu.memref_slice %arg6[%dma_wait3A_360, %dma_wait3A_361, %dma_wait3A_362] : memref<7x64x128xf32, #tpu.memory_space<vmem>> -> memref<1x64x128xf32, #tpu.memory_space<vmem>>
    %dma_wait3A_364 = tpu.memref_squeeze %dma_wait3A_363 : memref<1x64x128xf32, #tpu.memory_space<vmem>> -> memref<64x128xf32, #tpu.memory_space<vmem>>
    %dma_wait3A_365 = arith.constant 0 : i32
    %dma_wait3A_366 = arith.constant 0 : i32
    %dma_wait3A_367 = tpu.memref_slice %arg3[%dma_wait3A_365, %dma_wait3A_366] : memref<64x1000000xf32, #tpu.memory_space<hbm>> -> memref<64x128xf32, #tpu.memory_space<hbm>>
    %dma_wait3A_368 = arith.constant 0 : i32
    %dma_wait3A_369 = arith.constant 0 : i32
    %dma_wait3A_370 = tpu.memref_slice %arg6[%dma_wait3A_360, %dma_wait3A_368, %dma_wait3A_369] : memref<7x64x128xf32, #tpu.memory_space<vmem>> -> memref<1x64x128xf32, #tpu.memory_space<vmem>>
    %dma_wait3A_371 = tpu.memref_squeeze %dma_wait3A_370 : memref<1x64x128xf32, #tpu.memory_space<vmem>> -> memref<64x128xf32, #tpu.memory_space<vmem>>
    %dma_wait3A_372 = arith.constant 0 : i32
    %dma_wait3A_373 = arith.constant 0 : i32
    %dma_wait3A_374 = tpu.memref_slice %arg3[%dma_wait3A_372, %dma_wait3A_373] : memref<64x1000000xf32, #tpu.memory_space<hbm>> -> memref<64x128xf32, #tpu.memory_space<hbm>>
    tpu.wait_dma2 semaphore(%arg10 : memref<!tpu.dma_semaphore, #tpu.memory_space<semaphore_mem>>) src(%dma_wait3A_374 : memref<64x128xf32, #tpu.memory_space<hbm>>) dst(%dma_wait3A_371 : memref<64x128xf32, #tpu.memory_space<vmem>>)
    %mul3A_375 = arith.constant 16 : i32
    %mul3A_376 = arith.muli %mul3A_375, %arg0 : i32
    %add3A_377 = arith.constant 64 : i32
    %add3A_378 = arith.addi %add3A_377, %mul3A_376 : i32
    %get3A_379 = arith.index_cast %add3A_378 : i32 to index
    %get3A_380 = tpu.vector_load %arg5[%get3A_379] {strides = array<i32>} : memref<224xi32, #tpu.memory_space<vmem>>, vector<16xi32>,
    %iota3A_381 = tpu.iota {dimensions = array<i32: 0>} : vector<16xi32>
    %eq3A_382 = vector.broadcast %arg1 : i32 to vector<16xi32>
    %eq3A_383 = arith.cmpi eq, %iota3A_381, %eq3A_382 : vector<16xi32>
    %jit3A_384 = arith.constant 0 : i32
    %broadcast_in_dim3A_385 = vector.broadcast %jit3A_384 : i32 to vector<16xi32>
    %select_n3A_386 = arith.select %eq3A_383, %get3A_380, %broadcast_in_dim3A_385 : vector<16xi1>, vector<16xi32>
    %reduce_sum3A_387 = arith.constant true
    %reduce_sum3A_388 = vector.broadcast %reduce_sum3A_387 : i1 to vector<16xi1>
    %reduce_sum3A_389 = tpu.scan <sum>, %select_n3A_386 masked %reduce_sum3A_388 : vector<16xi32>, vector<16xi1> -> vector<16xi32>
    %reduce_sum3A_390 = vector.extract %reduce_sum3A_389[15] : i32 from vector<16xi32>
    %and3A_391 = arith.constant 127 : i32
    %and3A_392 = arith.andi %reduce_sum3A_390, %and3A_391 : i32
    %sub3A_393 = arith.subi %reduce_sum3A_390, %and3A_392 : i32
    %multiple_of3A_394 = tpu.assume_multiple %sub3A_393, 128 : i32
    %sub3A_395 = arith.subi %reduce_sum3A_390, %multiple_of3A_394 : i32
    %broadcast_in_dim3A_396 = vector.broadcast %sub3A_395 : i32 to vector<16xi32>
    %iota3A_397 = tpu.iota {dimensions = array<i32: 0>} : vector<16xi32>
    %add3A_398 = arith.constant 0 : i32
    %add3A_399 = vector.broadcast %add3A_398 : i32 to vector<16xi32>
    %add3A_400 = arith.addi %iota3A_397, %add3A_399 : vector<16xi32>
    %gather3A_401 = arith.constant 2 : i32
    %gather3A_402 = arith.constant 0 : i32
    %gather3A_403 = arith.constant 0 : i32
    %gather3A_404 = tpu.memref_slice %arg6[%gather3A_401, %gather3A_402, %gather3A_403] : memref<7x64x128xf32, #tpu.memory_space<vmem>> -> memref<1x64x128xf32, #tpu.memory_space<vmem>>
    %gather3A_405 = tpu.memref_squeeze %gather3A_404 : memref<1x64x128xf32, #tpu.memory_space<vmem>> -> memref<64x128xf32, #tpu.memory_space<vmem>>
    %gather3A_406 = tpu.vector_load_idx %gather3A_405[%add3A_400, %broadcast_in_dim3A_396] : memref<64x128xf32, #tpu.memory_space<vmem>>[vector<16xi32>, vector<16xi32>], vector<16xf32>,
    %add3A_407 = arith.addf %add3A_326, %gather3A_406 : vector<16xf32>
    %iota3A_408 = tpu.iota {dimensions = array<i32: 0>} : vector<16xi32>
    %add3A_409 = arith.constant 16 : i32
    %add3A_410 = vector.broadcast %add3A_409 : i32 to vector<16xi32>
    %add3A_411 = arith.addi %iota3A_408, %add3A_410 : vector<16xi32>
    %gather3A_412 = arith.constant 2 : i32
    %gather3A_413 = arith.constant 0 : i32
    %gather3A_414 = arith.constant 0 : i32
    %gather3A_415 = tpu.memref_slice %arg6[%gather3A_412, %gather3A_413, %gather3A_414] : memref<7x64x128xf32, #tpu.memory_space<vmem>> -> memref<1x64x128xf32, #tpu.memory_space<vmem>>
    %gather3A_416 = tpu.memref_squeeze %gather3A_415 : memref<1x64x128xf32, #tpu.memory_space<vmem>> -> memref<64x128xf32, #tpu.memory_space<vmem>>
    %gather3A_417 = tpu.vector_load_idx %gather3A_416[%add3A_411, %broadcast_in_dim3A_396] : memref<64x128xf32, #tpu.memory_space<vmem>>[vector<16xi32>, vector<16xi32>], vector<16xf32>,
    %add3A_418 = arith.addf %add3A_337, %gather3A_417 : vector<16xf32>
    %iota3A_419 = tpu.iota {dimensions = array<i32: 0>} : vector<16xi32>
    %add3A_420 = arith.constant 32 : i32
    %add3A_421 = vector.broadcast %add3A_420 : i32 to vector<16xi32>
    %add3A_422 = arith.addi %iota3A_419, %add3A_421 : vector<16xi32>
    %gather3A_423 = arith.constant 2 : i32
    %gather3A_424 = arith.constant 0 : i32
    %gather3A_425 = arith.constant 0 : i32
    %gather3A_426 = tpu.memref_slice %arg6[%gather3A_423, %gather3A_424, %gather3A_425] : memref<7x64x128xf32, #tpu.memory_space<vmem>> -> memref<1x64x128xf32, #tpu.memory_space<vmem>>
    %gather3A_427 = tpu.memref_squeeze %gather3A_426 : memref<1x64x128xf32, #tpu.memory_space<vmem>> -> memref<64x128xf32, #tpu.memory_space<vmem>>
    %gather3A_428 = tpu.vector_load_idx %gather3A_427[%add3A_422, %broadcast_in_dim3A_396] : memref<64x128xf32, #tpu.memory_space<vmem>>[vector<16xi32>, vector<16xi32>], vector<16xf32>,
    %add3A_429 = arith.addf %add3A_348, %gather3A_428 : vector<16xf32>
    %iota3A_430 = tpu.iota {dimensions = array<i32: 0>} : vector<16xi32>
    %add3A_431 = arith.constant 48 : i32
    %add3A_432 = vector.broadcast %add3A_431 : i32 to vector<16xi32>
    %add3A_433 = arith.addi %iota3A_430, %add3A_432 : vector<16xi32>
    %gather3A_434 = arith.constant 2 : i32
    %gather3A_435 = arith.constant 0 : i32
    %gather3A_436 = arith.constant 0 : i32
    %gather3A_437 = tpu.memref_slice %arg6[%gather3A_434, %gather3A_435, %gather3A_436] : memref<7x64x128xf32, #tpu.memory_space<vmem>> -> memref<1x64x128xf32, #tpu.memory_space<vmem>>
    %gather3A_438 = tpu.memref_squeeze %gather3A_437 : memref<1x64x128xf32, #tpu.memory_space<vmem>> -> memref<64x128xf32, #tpu.memory_space<vmem>>
    %gather3A_439 = tpu.vector_load_idx %gather3A_438[%add3A_433, %broadcast_in_dim3A_396] : memref<64x128xf32, #tpu.memory_space<vmem>>[vector<16xi32>, vector<16xi32>], vector<16xf32>,
    %add3A_440 = arith.addf %add3A_359, %gather3A_439 : vector<16xf32>
    %dma_wait3A_441 = arith.constant 3 : i32
    %dma_wait3A_442 = arith.constant 0 : i32
    %dma_wait3A_443 = arith.constant 0 : i32
    %dma_wait3A_444 = tpu.memref_slice %arg6[%dma_wait3A_441, %dma_wait3A_442, %dma_wait3A_443] : memref<7x64x128xf32, #tpu.memory_space<vmem>> -> memref<1x64x128xf32, #tpu.memory_space<vmem>>
    %dma_wait3A_445 = tpu.memref_squeeze %dma_wait3A_444 : memref<1x64x128xf32, #tpu.memory_space<vmem>> -> memref<64x128xf32, #tpu.memory_space<vmem>>
    %dma_wait3A_446 = arith.constant 0 : i32
    %dma_wait3A_447 = arith.constant 0 : i32
    %dma_wait3A_448 = tpu.memref_slice %arg3[%dma_wait3A_446, %dma_wait3A_447] : memref<64x1000000xf32, #tpu.memory_space<hbm>> -> memref<64x128xf32, #tpu.memory_space<hbm>>
    %dma_wait3A_449 = arith.constant 0 : i32
    %dma_wait3A_450 = arith.constant 0 : i32
    %dma_wait3A_451 = tpu.memref_slice %arg6[%dma_wait3A_441, %dma_wait3A_449, %dma_wait3A_450] : memref<7x64x128xf32, #tpu.memory_space<vmem>> -> memref<1x64x128xf32, #tpu.memory_space<vmem>>
    %dma_wait3A_452 = tpu.memref_squeeze %dma_wait3A_451 : memref<1x64x128xf32, #tpu.memory_space<vmem>> -> memref<64x128xf32, #tpu.memory_space<vmem>>
    %dma_wait3A_453 = arith.constant 0 : i32
    %dma_wait3A_454 = arith.constant 0 : i32
    %dma_wait3A_455 = tpu.memref_slice %arg3[%dma_wait3A_453, %dma_wait3A_454] : memref<64x1000000xf32, #tpu.memory_space<hbm>> -> memref<64x128xf32, #tpu.memory_space<hbm>>
    tpu.wait_dma2 semaphore(%arg11 : memref<!tpu.dma_semaphore, #tpu.memory_space<semaphore_mem>>) src(%dma_wait3A_455 : memref<64x128xf32, #tpu.memory_space<hbm>>) dst(%dma_wait3A_452 : memref<64x128xf32, #tpu.memory_space<vmem>>)
    %mul3A_456 = arith.constant 16 : i32
    %mul3A_457 = arith.muli %mul3A_456, %arg0 : i32
    %add3A_458 = arith.constant 96 : i32
    %add3A_459 = arith.addi %add3A_458, %mul3A_457 : i32
    %get3A_460 = arith.index_cast %add3A_459 : i32 to index
    %get3A_461 = tpu.vector_load %arg5[%get3A_460] {strides = array<i32>} : memref<224xi32, #tpu.memory_space<vmem>>, vector<16xi32>,
    %iota3A_462 = tpu.iota {dimensions = array<i32: 0>} : vector<16xi32>
    %eq3A_463 = vector.broadcast %arg1 : i32 to vector<16xi32>
    %eq3A_464 = arith.cmpi eq, %iota3A_462, %eq3A_463 : vector<16xi32>
    %jit3A_465 = arith.constant 0 : i32
    %broadcast_in_dim3A_466 = vector.broadcast %jit3A_465 : i32 to vector<16xi32>
    %select_n3A_467 = arith.select %eq3A_464, %get3A_461, %broadcast_in_dim3A_466 : vector<16xi1>, vector<16xi32>
    %reduce_sum3A_468 = arith.constant true
    %reduce_sum3A_469 = vector.broadcast %reduce_sum3A_468 : i1 to vector<16xi1>
    %reduce_sum3A_470 = tpu.scan <sum>, %select_n3A_467 masked %reduce_sum3A_469 : vector<16xi32>, vector<16xi1> -> vector<16xi32>
    %reduce_sum3A_471 = vector.extract %reduce_sum3A_470[15] : i32 from vector<16xi32>
    %and3A_472 = arith.constant 127 : i32
    %and3A_473 = arith.andi %reduce_sum3A_471, %and3A_472 : i32
    %sub3A_474 = arith.subi %reduce_sum3A_471, %and3A_473 : i32
    %multiple_of3A_475 = tpu.assume_multiple %sub3A_474, 128 : i32
    %sub3A_476 = arith.subi %reduce_sum3A_471, %multiple_of3A_475 : i32
    %broadcast_in_dim3A_477 = vector.broadcast %sub3A_476 : i32 to vector<16xi32>
    %iota3A_478 = tpu.iota {dimensions = array<i32: 0>} : vector<16xi32>
    %add3A_479 = arith.constant 0 : i32
    %add3A_480 = vector.broadcast %add3A_479 : i32 to vector<16xi32>
    %add3A_481 = arith.addi %iota3A_478, %add3A_480 : vector<16xi32>
    %gather3A_482 = arith.constant 3 : i32
    %gather3A_483 = arith.constant 0 : i32
    %gather3A_484 = arith.constant 0 : i32
    %gather3A_485 = tpu.memref_slice %arg6[%gather3A_482, %gather3A_483, %gather3A_484] : memref<7x64x128xf32, #tpu.memory_space<vmem>> -> memref<1x64x128xf32, #tpu.memory_space<vmem>>
    %gather3A_486 = tpu.memref_squeeze %gather3A_485 : memref<1x64x128xf32, #tpu.memory_space<vmem>> -> memref<64x128xf32, #tpu.memory_space<vmem>>
    %gather3A_487 = tpu.vector_load_idx %gather3A_486[%add3A_481, %broadcast_in_dim3A_477] : memref<64x128xf32, #tpu.memory_space<vmem>>[vector<16xi32>, vector<16xi32>], vector<16xf32>,
    %add3A_488 = arith.addf %add3A_407, %gather3A_487 : vector<16xf32>
    %iota3A_489 = tpu.iota {dimensions = array<i32: 0>} : vector<16xi32>
    %add3A_490 = arith.constant 16 : i32
    %add3A_491 = vector.broadcast %add3A_490 : i32 to vector<16xi32>
    %add3A_492 = arith.addi %iota3A_489, %add3A_491 : vector<16xi32>
    %gather3A_493 = arith.constant 3 : i32
    %gather3A_494 = arith.constant 0 : i32
    %gather3A_495 = arith.constant 0 : i32
    %gather3A_496 = tpu.memref_slice %arg6[%gather3A_493, %gather3A_494, %gather3A_495] : memref<7x64x128xf32, #tpu.memory_space<vmem>> -> memref<1x64x128xf32, #tpu.memory_space<vmem>>
    %gather3A_497 = tpu.memref_squeeze %gather3A_496 : memref<1x64x128xf32, #tpu.memory_space<vmem>> -> memref<64x128xf32, #tpu.memory_space<vmem>>
    %gather3A_498 = tpu.vector_load_idx %gather3A_497[%add3A_492, %broadcast_in_dim3A_477] : memref<64x128xf32, #tpu.memory_space<vmem>>[vector<16xi32>, vector<16xi32>], vector<16xf32>,
    %add3A_499 = arith.addf %add3A_418, %gather3A_498 : vector<16xf32>
    %iota3A_500 = tpu.iota {dimensions = array<i32: 0>} : vector<16xi32>
    %add3A_501 = arith.constant 32 : i32
    %add3A_502 = vector.broadcast %add3A_501 : i32 to vector<16xi32>
    %add3A_503 = arith.addi %iota3A_500, %add3A_502 : vector<16xi32>
    %gather3A_504 = arith.constant 3 : i32
    %gather3A_505 = arith.constant 0 : i32
    %gather3A_506 = arith.constant 0 : i32
    %gather3A_507 = tpu.memref_slice %arg6[%gather3A_504, %gather3A_505, %gather3A_506] : memref<7x64x128xf32, #tpu.memory_space<vmem>> -> memref<1x64x128xf32, #tpu.memory_space<vmem>>
    %gather3A_508 = tpu.memref_squeeze %gather3A_507 : memref<1x64x128xf32, #tpu.memory_space<vmem>> -> memref<64x128xf32, #tpu.memory_space<vmem>>
    %gather3A_509 = tpu.vector_load_idx %gather3A_508[%add3A_503, %broadcast_in_dim3A_477] : memref<64x128xf32, #tpu.memory_space<vmem>>[vector<16xi32>, vector<16xi32>], vector<16xf32>,
    %add3A_510 = arith.addf %add3A_429, %gather3A_509 : vector<16xf32>
    %iota3A_511 = tpu.iota {dimensions = array<i32: 0>} : vector<16xi32>
    %add3A_512 = arith.constant 48 : i32
    %add3A_513 = vector.broadcast %add3A_512 : i32 to vector<16xi32>
    %add3A_514 = arith.addi %iota3A_511, %add3A_513 : vector<16xi32>
    %gather3A_515 = arith.constant 3 : i32
    %gather3A_516 = arith.constant 0 : i32
    %gather3A_517 = arith.constant 0 : i32
    %gather3A_518 = tpu.memref_slice %arg6[%gather3A_515, %gather3A_516, %gather3A_517] : memref<7x64x128xf32, #tpu.memory_space<vmem>> -> memref<1x64x128xf32, #tpu.memory_space<vmem>>
    %gather3A_519 = tpu.memref_squeeze %gather3A_518 : memref<1x64x128xf32, #tpu.memory_space<vmem>> -> memref<64x128xf32, #tpu.memory_space<vmem>>
    %gather3A_520 = tpu.vector_load_idx %gather3A_519[%add3A_514, %broadcast_in_dim3A_477] : memref<64x128xf32, #tpu.memory_space<vmem>>[vector<16xi32>, vector<16xi32>], vector<16xf32>,
    %add3A_521 = arith.addf %add3A_440, %gather3A_520 : vector<16xf32>
    %dma_wait3A_522 = arith.constant 4 : i32
    %dma_wait3A_523 = arith.constant 0 : i32
    %dma_wait3A_524 = arith.constant 0 : i32
    %dma_wait3A_525 = tpu.memref_slice %arg6[%dma_wait3A_522, %dma_wait3A_523, %dma_wait3A_524] : memref<7x64x128xf32, #tpu.memory_space<vmem>> -> memref<1x64x128xf32, #tpu.memory_space<vmem>>
    %dma_wait3A_526 = tpu.memref_squeeze %dma_wait3A_525 : memref<1x64x128xf32, #tpu.memory_space<vmem>> -> memref<64x128xf32, #tpu.memory_space<vmem>>
    %dma_wait3A_527 = arith.constant 0 : i32
    %dma_wait3A_528 = arith.constant 0 : i32
    %dma_wait3A_529 = tpu.memref_slice %arg3[%dma_wait3A_527, %dma_wait3A_528] : memref<64x1000000xf32, #tpu.memory_space<hbm>> -> memref<64x128xf32, #tpu.memory_space<hbm>>
    %dma_wait3A_530 = arith.constant 0 : i32
    %dma_wait3A_531 = arith.constant 0 : i32
    %dma_wait3A_532 = tpu.memref_slice %arg6[%dma_wait3A_522, %dma_wait3A_530, %dma_wait3A_531] : memref<7x64x128xf32, #tpu.memory_space<vmem>> -> memref<1x64x128xf32, #tpu.memory_space<vmem>>
    %dma_wait3A_533 = tpu.memref_squeeze %dma_wait3A_532 : memref<1x64x128xf32, #tpu.memory_space<vmem>> -> memref<64x128xf32, #tpu.memory_space<vmem>>
    %dma_wait3A_534 = arith.constant 0 : i32
    %dma_wait3A_535 = arith.constant 0 : i32
    %dma_wait3A_536 = tpu.memref_slice %arg3[%dma_wait3A_534, %dma_wait3A_535] : memref<64x1000000xf32, #tpu.memory_space<hbm>> -> memref<64x128xf32, #tpu.memory_space<hbm>>
    tpu.wait_dma2 semaphore(%arg12 : memref<!tpu.dma_semaphore, #tpu.memory_space<semaphore_mem>>) src(%dma_wait3A_536 : memref<64x128xf32, #tpu.memory_space<hbm>>) dst(%dma_wait3A_533 : memref<64x128xf32, #tpu.memory_space<vmem>>)
    %mul3A_537 = arith.constant 16 : i32
    %mul3A_538 = arith.muli %mul3A_537, %arg0 : i32
    %add3A_539 = arith.constant 128 : i32
    %add3A_540 = arith.addi %add3A_539, %mul3A_538 : i32
    %get3A_541 = arith.index_cast %add3A_540 : i32 to index
    %get3A_542 = tpu.vector_load %arg5[%get3A_541] {strides = array<i32>} : memref<224xi32, #tpu.memory_space<vmem>>, vector<16xi32>,
    %iota3A_543 = tpu.iota {dimensions = array<i32: 0>} : vector<16xi32>
    %eq3A_544 = vector.broadcast %arg1 : i32 to vector<16xi32>
    %eq3A_545 = arith.cmpi eq, %iota3A_543, %eq3A_544 : vector<16xi32>
    %jit3A_546 = arith.constant 0 : i32
    %broadcast_in_dim3A_547 = vector.broadcast %jit3A_546 : i32 to vector<16xi32>
    %select_n3A_548 = arith.select %eq3A_545, %get3A_542, %broadcast_in_dim3A_547 : vector<16xi1>, vector<16xi32>
    %reduce_sum3A_549 = arith.constant true
    %reduce_sum3A_550 = vector.broadcast %reduce_sum3A_549 : i1 to vector<16xi1>
    %reduce_sum3A_551 = tpu.scan <sum>, %select_n3A_548 masked %reduce_sum3A_550 : vector<16xi32>, vector<16xi1> -> vector<16xi32>
    %reduce_sum3A_552 = vector.extract %reduce_sum3A_551[15] : i32 from vector<16xi32>
    %and3A_553 = arith.constant 127 : i32
    %and3A_554 = arith.andi %reduce_sum3A_552, %and3A_553 : i32
    %sub3A_555 = arith.subi %reduce_sum3A_552, %and3A_554 : i32
    %multiple_of3A_556 = tpu.assume_multiple %sub3A_555, 128 : i32
    %sub3A_557 = arith.subi %reduce_sum3A_552, %multiple_of3A_556 : i32
    %broadcast_in_dim3A_558 = vector.broadcast %sub3A_557 : i32 to vector<16xi32>
    %iota3A_559 = tpu.iota {dimensions = array<i32: 0>} : vector<16xi32>
    %add3A_560 = arith.constant 0 : i32
    %add3A_561 = vector.broadcast %add3A_560 : i32 to vector<16xi32>
    %add3A_562 = arith.addi %iota3A_559, %add3A_561 : vector<16xi32>
    %gather3A_563 = arith.constant 4 : i32
    %gather3A_564 = arith.constant 0 : i32
    %gather3A_565 = arith.constant 0 : i32
    %gather3A_566 = tpu.memref_slice %arg6[%gather3A_563, %gather3A_564, %gather3A_565] : memref<7x64x128xf32, #tpu.memory_space<vmem>> -> memref<1x64x128xf32, #tpu.memory_space<vmem>>
    %gather3A_567 = tpu.memref_squeeze %gather3A_566 : memref<1x64x128xf32, #tpu.memory_space<vmem>> -> memref<64x128xf32, #tpu.memory_space<vmem>>
    %gather3A_568 = tpu.vector_load_idx %gather3A_567[%add3A_562, %broadcast_in_dim3A_558] : memref<64x128xf32, #tpu.memory_space<vmem>>[vector<16xi32>, vector<16xi32>], vector<16xf32>,
    %add3A_569 = arith.addf %add3A_488, %gather3A_568 : vector<16xf32>
    %iota3A_570 = tpu.iota {dimensions = array<i32: 0>} : vector<16xi32>
    %add3A_571 = arith.constant 16 : i32
    %add3A_572 = vector.broadcast %add3A_571 : i32 to vector<16xi32>
    %add3A_573 = arith.addi %iota3A_570, %add3A_572 : vector<16xi32>
    %gather3A_574 = arith.constant 4 : i32
    %gather3A_575 = arith.constant 0 : i32
    %gather3A_576 = arith.constant 0 : i32
    %gather3A_577 = tpu.memref_slice %arg6[%gather3A_574, %gather3A_575, %gather3A_576] : memref<7x64x128xf32, #tpu.memory_space<vmem>> -> memref<1x64x128xf32, #tpu.memory_space<vmem>>
    %gather3A_578 = tpu.memref_squeeze %gather3A_577 : memref<1x64x128xf32, #tpu.memory_space<vmem>> -> memref<64x128xf32, #tpu.memory_space<vmem>>
    %gather3A_579 = tpu.vector_load_idx %gather3A_578[%add3A_573, %broadcast_in_dim3A_558] : memref<64x128xf32, #tpu.memory_space<vmem>>[vector<16xi32>, vector<16xi32>], vector<16xf32>,
    %add3A_580 = arith.addf %add3A_499, %gather3A_579 : vector<16xf32>
    %iota3A_581 = tpu.iota {dimensions = array<i32: 0>} : vector<16xi32>
    %add3A_582 = arith.constant 32 : i32
    %add3A_583 = vector.broadcast %add3A_582 : i32 to vector<16xi32>
    %add3A_584 = arith.addi %iota3A_581, %add3A_583 : vector<16xi32>
    %gather3A_585 = arith.constant 4 : i32
    %gather3A_586 = arith.constant 0 : i32
    %gather3A_587 = arith.constant 0 : i32
    %gather3A_588 = tpu.memref_slice %arg6[%gather3A_585, %gather3A_586, %gather3A_587] : memref<7x64x128xf32, #tpu.memory_space<vmem>> -> memref<1x64x128xf32, #tpu.memory_space<vmem>>
    %gather3A_589 = tpu.memref_squeeze %gather3A_588 : memref<1x64x128xf32, #tpu.memory_space<vmem>> -> memref<64x128xf32, #tpu.memory_space<vmem>>
    %gather3A_590 = tpu.vector_load_idx %gather3A_589[%add3A_584, %broadcast_in_dim3A_558] : memref<64x128xf32, #tpu.memory_space<vmem>>[vector<16xi32>, vector<16xi32>], vector<16xf32>,
    %add3A_591 = arith.addf %add3A_510, %gather3A_590 : vector<16xf32>
    %iota3A_592 = tpu.iota {dimensions = array<i32: 0>} : vector<16xi32>
    %add3A_593 = arith.constant 48 : i32
    %add3A_594 = vector.broadcast %add3A_593 : i32 to vector<16xi32>
    %add3A_595 = arith.addi %iota3A_592, %add3A_594 : vector<16xi32>
    %gather3A_596 = arith.constant 4 : i32
    %gather3A_597 = arith.constant 0 : i32
    %gather3A_598 = arith.constant 0 : i32
    %gather3A_599 = tpu.memref_slice %arg6[%gather3A_596, %gather3A_597, %gather3A_598] : memref<7x64x128xf32, #tpu.memory_space<vmem>> -> memref<1x64x128xf32, #tpu.memory_space<vmem>>
    %gather3A_600 = tpu.memref_squeeze %gather3A_599 : memref<1x64x128xf32, #tpu.memory_space<vmem>> -> memref<64x128xf32, #tpu.memory_space<vmem>>
    %gather3A_601 = tpu.vector_load_idx %gather3A_600[%add3A_595, %broadcast_in_dim3A_558] : memref<64x128xf32, #tpu.memory_space<vmem>>[vector<16xi32>, vector<16xi32>], vector<16xf32>,
    %add3A_602 = arith.addf %add3A_521, %gather3A_601 : vector<16xf32>
    %dma_wait3A_603 = arith.constant 5 : i32
    %dma_wait3A_604 = arith.constant 0 : i32
    %dma_wait3A_605 = arith.constant 0 : i32
    %dma_wait3A_606 = tpu.memref_slice %arg6[%dma_wait3A_603, %dma_wait3A_604, %dma_wait3A_605] : memref<7x64x128xf32, #tpu.memory_space<vmem>> -> memref<1x64x128xf32, #tpu.memory_space<vmem>>
    %dma_wait3A_607 = tpu.memref_squeeze %dma_wait3A_606 : memref<1x64x128xf32, #tpu.memory_space<vmem>> -> memref<64x128xf32, #tpu.memory_space<vmem>>
    %dma_wait3A_608 = arith.constant 0 : i32
    %dma_wait3A_609 = arith.constant 0 : i32
    %dma_wait3A_610 = tpu.memref_slice %arg3[%dma_wait3A_608, %dma_wait3A_609] : memref<64x1000000xf32, #tpu.memory_space<hbm>> -> memref<64x128xf32, #tpu.memory_space<hbm>>
    %dma_wait3A_611 = arith.constant 0 : i32
    %dma_wait3A_612 = arith.constant 0 : i32
    %dma_wait3A_613 = tpu.memref_slice %arg6[%dma_wait3A_603, %dma_wait3A_611, %dma_wait3A_612] : memref<7x64x128xf32, #tpu.memory_space<vmem>> -> memref<1x64x128xf32, #tpu.memory_space<vmem>>
    %dma_wait3A_614 = tpu.memref_squeeze %dma_wait3A_613 : memref<1x64x128xf32, #tpu.memory_space<vmem>> -> memref<64x128xf32, #tpu.memory_space<vmem>>
    %dma_wait3A_615 = arith.constant 0 : i32
    %dma_wait3A_616 = arith.constant 0 : i32
    %dma_wait3A_617 = tpu.memref_slice %arg3[%dma_wait3A_615, %dma_wait3A_616] : memref<64x1000000xf32, #tpu.memory_space<hbm>> -> memref<64x128xf32, #tpu.memory_space<hbm>>
    tpu.wait_dma2 semaphore(%arg13 : memref<!tpu.dma_semaphore, #tpu.memory_space<semaphore_mem>>) src(%dma_wait3A_617 : memref<64x128xf32, #tpu.memory_space<hbm>>) dst(%dma_wait3A_614 : memref<64x128xf32, #tpu.memory_space<vmem>>)
    %mul3A_618 = arith.constant 16 : i32
    %mul3A_619 = arith.muli %mul3A_618, %arg0 : i32
    %add3A_620 = arith.constant 160 : i32
    %add3A_621 = arith.addi %add3A_620, %mul3A_619 : i32
    %get3A_622 = arith.index_cast %add3A_621 : i32 to index
    %get3A_623 = tpu.vector_load %arg5[%get3A_622] {strides = array<i32>} : memref<224xi32, #tpu.memory_space<vmem>>, vector<16xi32>,
    %iota3A_624 = tpu.iota {dimensions = array<i32: 0>} : vector<16xi32>
    %eq3A_625 = vector.broadcast %arg1 : i32 to vector<16xi32>
    %eq3A_626 = arith.cmpi eq, %iota3A_624, %eq3A_625 : vector<16xi32>
    %jit3A_627 = arith.constant 0 : i32
    %broadcast_in_dim3A_628 = vector.broadcast %jit3A_627 : i32 to vector<16xi32>
    %select_n3A_629 = arith.select %eq3A_626, %get3A_623, %broadcast_in_dim3A_628 : vector<16xi1>, vector<16xi32>
    %reduce_sum3A_630 = arith.constant true
    %reduce_sum3A_631 = vector.broadcast %reduce_sum3A_630 : i1 to vector<16xi1>
    %reduce_sum3A_632 = tpu.scan <sum>, %select_n3A_629 masked %reduce_sum3A_631 : vector<16xi32>, vector<16xi1> -> vector<16xi32>
    %reduce_sum3A_633 = vector.extract %reduce_sum3A_632[15] : i32 from vector<16xi32>
    %and3A_634 = arith.constant 127 : i32
    %and3A_635 = arith.andi %reduce_sum3A_633, %and3A_634 : i32
    %sub3A_636 = arith.subi %reduce_sum3A_633, %and3A_635 : i32
    %multiple_of3A_637 = tpu.assume_multiple %sub3A_636, 128 : i32
    %sub3A_638 = arith.subi %reduce_sum3A_633, %multiple_of3A_637 : i32
    %broadcast_in_dim3A_639 = vector.broadcast %sub3A_638 : i32 to vector<16xi32>
    %iota3A_640 = tpu.iota {dimensions = array<i32: 0>} : vector<16xi32>
    %add3A_641 = arith.constant 0 : i32
    %add3A_642 = vector.broadcast %add3A_641 : i32 to vector<16xi32>
    %add3A_643 = arith.addi %iota3A_640, %add3A_642 : vector<16xi32>
    %gather3A_644 = arith.constant 5 : i32
    %gather3A_645 = arith.constant 0 : i32
    %gather3A_646 = arith.constant 0 : i32
    %gather3A_647 = tpu.memref_slice %arg6[%gather3A_644, %gather3A_645, %gather3A_646] : memref<7x64x128xf32, #tpu.memory_space<vmem>> -> memref<1x64x128xf32, #tpu.memory_space<vmem>>
    %gather3A_648 = tpu.memref_squeeze %gather3A_647 : memref<1x64x128xf32, #tpu.memory_space<vmem>> -> memref<64x128xf32, #tpu.memory_space<vmem>>
    %gather3A_649 = tpu.vector_load_idx %gather3A_648[%add3A_643, %broadcast_in_dim3A_639] : memref<64x128xf32, #tpu.memory_space<vmem>>[vector<16xi32>, vector<16xi32>], vector<16xf32>,
    %add3A_650 = arith.addf %add3A_569, %gather3A_649 : vector<16xf32>
    %iota3A_651 = tpu.iota {dimensions = array<i32: 0>} : vector<16xi32>
    %add3A_652 = arith.constant 16 : i32
    %add3A_653 = vector.broadcast %add3A_652 : i32 to vector<16xi32>
    %add3A_654 = arith.addi %iota3A_651, %add3A_653 : vector<16xi32>
    %gather3A_655 = arith.constant 5 : i32
    %gather3A_656 = arith.constant 0 : i32
    %gather3A_657 = arith.constant 0 : i32
    %gather3A_658 = tpu.memref_slice %arg6[%gather3A_655, %gather3A_656, %gather3A_657] : memref<7x64x128xf32, #tpu.memory_space<vmem>> -> memref<1x64x128xf32, #tpu.memory_space<vmem>>
    %gather3A_659 = tpu.memref_squeeze %gather3A_658 : memref<1x64x128xf32, #tpu.memory_space<vmem>> -> memref<64x128xf32, #tpu.memory_space<vmem>>
    %gather3A_660 = tpu.vector_load_idx %gather3A_659[%add3A_654, %broadcast_in_dim3A_639] : memref<64x128xf32, #tpu.memory_space<vmem>>[vector<16xi32>, vector<16xi32>], vector<16xf32>,
    %add3A_661 = arith.addf %add3A_580, %gather3A_660 : vector<16xf32>
    %iota3A_662 = tpu.iota {dimensions = array<i32: 0>} : vector<16xi32>
    %add3A_663 = arith.constant 32 : i32
    %add3A_664 = vector.broadcast %add3A_663 : i32 to vector<16xi32>
    %add3A_665 = arith.addi %iota3A_662, %add3A_664 : vector<16xi32>
    %gather3A_666 = arith.constant 5 : i32
    %gather3A_667 = arith.constant 0 : i32
    %gather3A_668 = arith.constant 0 : i32
    %gather3A_669 = tpu.memref_slice %arg6[%gather3A_666, %gather3A_667, %gather3A_668] : memref<7x64x128xf32, #tpu.memory_space<vmem>> -> memref<1x64x128xf32, #tpu.memory_space<vmem>>
    %gather3A_670 = tpu.memref_squeeze %gather3A_669 : memref<1x64x128xf32, #tpu.memory_space<vmem>> -> memref<64x128xf32, #tpu.memory_space<vmem>>
    %gather3A_671 = tpu.vector_load_idx %gather3A_670[%add3A_665, %broadcast_in_dim3A_639] : memref<64x128xf32, #tpu.memory_space<vmem>>[vector<16xi32>, vector<16xi32>], vector<16xf32>,
    %add3A_672 = arith.addf %add3A_591, %gather3A_671 : vector<16xf32>
    %iota3A_673 = tpu.iota {dimensions = array<i32: 0>} : vector<16xi32>
    %add3A_674 = arith.constant 48 : i32
    %add3A_675 = vector.broadcast %add3A_674 : i32 to vector<16xi32>
    %add3A_676 = arith.addi %iota3A_673, %add3A_675 : vector<16xi32>
    %gather3A_677 = arith.constant 5 : i32
    %gather3A_678 = arith.constant 0 : i32
    %gather3A_679 = arith.constant 0 : i32
    %gather3A_680 = tpu.memref_slice %arg6[%gather3A_677, %gather3A_678, %gather3A_679] : memref<7x64x128xf32, #tpu.memory_space<vmem>> -> memref<1x64x128xf32, #tpu.memory_space<vmem>>
    %gather3A_681 = tpu.memref_squeeze %gather3A_680 : memref<1x64x128xf32, #tpu.memory_space<vmem>> -> memref<64x128xf32, #tpu.memory_space<vmem>>
    %gather3A_682 = tpu.vector_load_idx %gather3A_681[%add3A_676, %broadcast_in_dim3A_639] : memref<64x128xf32, #tpu.memory_space<vmem>>[vector<16xi32>, vector<16xi32>], vector<16xf32>,
    %add3A_683 = arith.addf %add3A_602, %gather3A_682 : vector<16xf32>
    %add3A_684 = arith.constant 192 : i32
    %add3A_685 = arith.addi %add3A, %add3A_684 : i32
    %lt3A_686 = arith.constant 200 : i32
    %lt3A_687 = arith.cmpi slt, %add3A_685, %lt3A_686 : i32
    %convert_element_type3A_688 = arith.extui %lt3A_687 : i1 to i32
    %cond3A_689 = arith.constant 0 : i32
    %cond3A_690 = arith.cmpi ne, %convert_element_type3A_688, %cond3A_689 : i32
    scf.if %cond3A_690 {
      %dma_wait3A_788 = arith.constant 6 : i32
      %dma_wait3A_789 = arith.constant 0 : i32
      %dma_wait3A_790 = arith.constant 0 : i32
      %dma_wait3A_791 = tpu.memref_slice %arg6[%dma_wait3A_788, %dma_wait3A_789, %dma_wait3A_790] : memref<7x64x128xf32, #tpu.memory_space<vmem>> -> memref<1x64x128xf32, #tpu.memory_space<vmem>>
      %dma_wait3A_792 = tpu.memref_squeeze %dma_wait3A_791 : memref<1x64x128xf32, #tpu.memory_space<vmem>> -> memref<64x128xf32, #tpu.memory_space<vmem>>
      %dma_wait3A_793 = arith.constant 0 : i32
      %dma_wait3A_794 = arith.constant 0 : i32
      %dma_wait3A_795 = tpu.memref_slice %arg3[%dma_wait3A_793, %dma_wait3A_794] : memref<64x1000000xf32, #tpu.memory_space<hbm>> -> memref<64x128xf32, #tpu.memory_space<hbm>>
      %dma_wait3A_796 = arith.constant 0 : i32
      %dma_wait3A_797 = arith.constant 0 : i32
      %dma_wait3A_798 = tpu.memref_slice %arg6[%dma_wait3A_788, %dma_wait3A_796, %dma_wait3A_797] : memref<7x64x128xf32, #tpu.memory_space<vmem>> -> memref<1x64x128xf32, #tpu.memory_space<vmem>>
      %dma_wait3A_799 = tpu.memref_squeeze %dma_wait3A_798 : memref<1x64x128xf32, #tpu.memory_space<vmem>> -> memref<64x128xf32, #tpu.memory_space<vmem>>
      %dma_wait3A_800 = arith.constant 0 : i32
      %dma_wait3A_801 = arith.constant 0 : i32
      %dma_wait3A_802 = tpu.memref_slice %arg3[%dma_wait3A_800, %dma_wait3A_801] : memref<64x1000000xf32, #tpu.memory_space<hbm>> -> memref<64x128xf32, #tpu.memory_space<hbm>>
      tpu.wait_dma2 semaphore(%arg14 : memref<!tpu.dma_semaphore, #tpu.memory_space<semaphore_mem>>) src(%dma_wait3A_802 : memref<64x128xf32, #tpu.memory_space<hbm>>) dst(%dma_wait3A_799 : memref<64x128xf32, #tpu.memory_space<vmem>>)
    } else {
    }
    %mul3A_691 = arith.constant 16 : i32
    %mul3A_692 = arith.muli %mul3A_691, %arg0 : i32
    %add3A_693 = arith.constant 192 : i32
    %add3A_694 = arith.addi %add3A_693, %mul3A_692 : i32
    %get3A_695 = arith.index_cast %add3A_694 : i32 to index
    %get3A_696 = tpu.vector_load %arg5[%get3A_695] {strides = array<i32>} : memref<224xi32, #tpu.memory_space<vmem>>, vector<16xi32>,
    %iota3A_697 = tpu.iota {dimensions = array<i32: 0>} : vector<16xi32>
    %eq3A_698 = vector.broadcast %arg1 : i32 to vector<16xi32>
    %eq3A_699 = arith.cmpi eq, %iota3A_697, %eq3A_698 : vector<16xi32>
    %jit3A_700 = arith.constant 0 : i32
    %broadcast_in_dim3A_701 = vector.broadcast %jit3A_700 : i32 to vector<16xi32>
    %select_n3A_702 = arith.select %eq3A_699, %get3A_696, %broadcast_in_dim3A_701 : vector<16xi1>, vector<16xi32>
    %reduce_sum3A_703 = arith.constant true
    %reduce_sum3A_704 = vector.broadcast %reduce_sum3A_703 : i1 to vector<16xi1>
    %reduce_sum3A_705 = tpu.scan <sum>, %select_n3A_702 masked %reduce_sum3A_704 : vector<16xi32>, vector<16xi1> -> vector<16xi32>
    %reduce_sum3A_706 = vector.extract %reduce_sum3A_705[15] : i32 from vector<16xi32>
    %and3A_707 = arith.constant 127 : i32
    %and3A_708 = arith.andi %reduce_sum3A_706, %and3A_707 : i32
    %sub3A_709 = arith.subi %reduce_sum3A_706, %and3A_708 : i32
    %multiple_of3A_710 = tpu.assume_multiple %sub3A_709, 128 : i32
    %sub3A_711 = arith.subi %reduce_sum3A_706, %multiple_of3A_710 : i32
    %broadcast_in_dim3A_712 = vector.broadcast %sub3A_711 : i32 to vector<16xi32>
    %add3A_713 = arith.constant 192 : i32
    %add3A_714 = arith.addi %add3A, %add3A_713 : i32
    %lt3A_715 = arith.constant 200 : i32
    %lt3A_716 = arith.cmpi slt, %add3A_714, %lt3A_715 : i32
    %iota3A_717 = tpu.iota {dimensions = array<i32: 0>} : vector<16xi32>
    %add3A_718 = arith.constant 0 : i32
    %add3A_719 = vector.broadcast %add3A_718 : i32 to vector<16xi32>
    %add3A_720 = arith.addi %iota3A_717, %add3A_719 : vector<16xi32>
    %gather3A_721 = arith.constant 6 : i32
    %gather3A_722 = arith.constant 0 : i32
    %gather3A_723 = arith.constant 0 : i32
    %gather3A_724 = tpu.memref_slice %arg6[%gather3A_721, %gather3A_722, %gather3A_723] : memref<7x64x128xf32, #tpu.memory_space<vmem>> -> memref<1x64x128xf32, #tpu.memory_space<vmem>>
    %gather3A_725 = tpu.memref_squeeze %gather3A_724 : memref<1x64x128xf32, #tpu.memory_space<vmem>> -> memref<64x128xf32, #tpu.memory_space<vmem>>
    %gather3A_726 = tpu.vector_load_idx %gather3A_725[%add3A_720, %broadcast_in_dim3A_712] : memref<64x128xf32, #tpu.memory_space<vmem>>[vector<16xi32>, vector<16xi32>], vector<16xf32>,
    %jit3A_727 = arith.constant 0.000000e+00 : f32
    %broadcast_in_dim3A_728 = vector.broadcast %jit3A_727 : f32 to vector<16xf32>
    %select_n3A_729 = arith.select %lt3A_716, %gather3A_726, %broadcast_in_dim3A_728 : vector<16xf32>
    %add3A_730 = arith.addf %add3A_650, %select_n3A_729 : vector<16xf32>
    %iota3A_731 = tpu.iota {dimensions = array<i32: 0>} : vector<16xi32>
    %add3A_732 = arith.constant 16 : i32
    %add3A_733 = vector.broadcast %add3A_732 : i32 to vector<16xi32>
    %add3A_734 = arith.addi %iota3A_731, %add3A_733 : vector<16xi32>
    %gather3A_735 = arith.constant 6 : i32
    %gather3A_736 = arith.constant 0 : i32
    %gather3A_737 = arith.constant 0 : i32
    %gather3A_738 = tpu.memref_slice %arg6[%gather3A_735, %gather3A_736, %gather3A_737] : memref<7x64x128xf32, #tpu.memory_space<vmem>> -> memref<1x64x128xf32, #tpu.memory_space<vmem>>
    %gather3A_739 = tpu.memref_squeeze %gather3A_738 : memref<1x64x128xf32, #tpu.memory_space<vmem>> -> memref<64x128xf32, #tpu.memory_space<vmem>>
    %gather3A_740 = tpu.vector_load_idx %gather3A_739[%add3A_734, %broadcast_in_dim3A_712] : memref<64x128xf32, #tpu.memory_space<vmem>>[vector<16xi32>, vector<16xi32>], vector<16xf32>,
    %jit3A_741 = arith.constant 0.000000e+00 : f32
    %broadcast_in_dim3A_742 = vector.broadcast %jit3A_741 : f32 to vector<16xf32>
    %select_n3A_743 = arith.select %lt3A_716, %gather3A_740, %broadcast_in_dim3A_742 : vector<16xf32>
    %add3A_744 = arith.addf %add3A_661, %select_n3A_743 : vector<16xf32>
    %iota3A_745 = tpu.iota {dimensions = array<i32: 0>} : vector<16xi32>
    %add3A_746 = arith.constant 32 : i32
    %add3A_747 = vector.broadcast %add3A_746 : i32 to vector<16xi32>
    %add3A_748 = arith.addi %iota3A_745, %add3A_747 : vector<16xi32>
    %gather3A_749 = arith.constant 6 : i32
    %gather3A_750 = arith.constant 0 : i32
    %gather3A_751 = arith.constant 0 : i32
    %gather3A_752 = tpu.memref_slice %arg6[%gather3A_749, %gather3A_750, %gather3A_751] : memref<7x64x128xf32, #tpu.memory_space<vmem>> -> memref<1x64x128xf32, #tpu.memory_space<vmem>>
    %gather3A_753 = tpu.memref_squeeze %gather3A_752 : memref<1x64x128xf32, #tpu.memory_space<vmem>> -> memref<64x128xf32, #tpu.memory_space<vmem>>
    %gather3A_754 = tpu.vector_load_idx %gather3A_753[%add3A_748, %broadcast_in_dim3A_712] : memref<64x128xf32, #tpu.memory_space<vmem>>[vector<16xi32>, vector<16xi32>], vector<16xf32>,
    %jit3A_755 = arith.constant 0.000000e+00 : f32
    %broadcast_in_dim3A_756 = vector.broadcast %jit3A_755 : f32 to vector<16xf32>
    %select_n3A_757 = arith.select %lt3A_716, %gather3A_754, %broadcast_in_dim3A_756 : vector<16xf32>
    %add3A_758 = arith.addf %add3A_672, %select_n3A_757 : vector<16xf32>
    %iota3A_759 = tpu.iota {dimensions = array<i32: 0>} : vector<16xi32>
    %add3A_760 = arith.constant 48 : i32
    %add3A_761 = vector.broadcast %add3A_760 : i32 to vector<16xi32>
    %add3A_762 = arith.addi %iota3A_759, %add3A_761 : vector<16xi32>
    %gather3A_763 = arith.constant 6 : i32
    %gather3A_764 = arith.constant 0 : i32
    %gather3A_765 = arith.constant 0 : i32
    %gather3A_766 = tpu.memref_slice %arg6[%gather3A_763, %gather3A_764, %gather3A_765] : memref<7x64x128xf32, #tpu.memory_space<vmem>> -> memref<1x64x128xf32, #tpu.memory_space<vmem>>
    %gather3A_767 = tpu.memref_squeeze %gather3A_766 : memref<1x64x128xf32, #tpu.memory_space<vmem>> -> memref<64x128xf32, #tpu.memory_space<vmem>>
    %gather3A_768 = tpu.vector_load_idx %gather3A_767[%add3A_762, %broadcast_in_dim3A_712] : memref<64x128xf32, #tpu.memory_space<vmem>>[vector<16xi32>, vector<16xi32>], vector<16xf32>,
    %jit3A_769 = arith.constant 0.000000e+00 : f32
    %broadcast_in_dim3A_770 = vector.broadcast %jit3A_769 : f32 to vector<16xf32>
    %select_n3A_771 = arith.select %lt3A_716, %gather3A_768, %broadcast_in_dim3A_770 : vector<16xf32>
    %add3A_772 = arith.addf %add3A_683, %select_n3A_771 : vector<16xf32>
    %swap3A = arith.constant 0 : i32
    %swap3A_773 = arith.index_cast %swap3A : i32 to index
    %swap3A_774 = arith.constant 0 : index
    %swap3A_775 = tpu.vector_load %arg7[%swap3A_773, %swap3A_774] {strides = array<i32>} : memref<4x16xf32, #tpu.memory_space<vmem>>, vector<16xf32>,
    tpu.vector_store %arg7[%swap3A_773, %swap3A_774], %add3A_730 {strides = array<i32>} : memref<4x16xf32, #tpu.memory_space<vmem>>, vector<16xf32>,
    %swap3A_776 = arith.constant 1 : i32
    %swap3A_777 = arith.index_cast %swap3A_776 : i32 to index
    %swap3A_778 = arith.constant 0 : index
    %swap3A_779 = tpu.vector_load %arg7[%swap3A_777, %swap3A_778] {strides = array<i32>} : memref<4x16xf32, #tpu.memory_space<vmem>>, vector<16xf32>,
    tpu.vector_store %arg7[%swap3A_777, %swap3A_778], %add3A_744 {strides = array<i32>} : memref<4x16xf32, #tpu.memory_space<vmem>>, vector<16xf32>,
    %swap3A_780 = arith.constant 2 : i32
    %swap3A_781 = arith.index_cast %swap3A_780 : i32 to index
    %swap3A_782 = arith.constant 0 : index
    %swap3A_783 = tpu.vector_load %arg7[%swap3A_781, %swap3A_782] {strides = array<i32>} : memref<4x16xf32, #tpu.memory_space<vmem>>, vector<16xf32>,
    tpu.vector_store %arg7[%swap3A_781, %swap3A_782], %add3A_758 {strides = array<i32>} : memref<4x16xf32, #tpu.memory_space<vmem>>, vector<16xf32>,
    %swap3A_784 = arith.constant 3 : i32
    %swap3A_785 = arith.index_cast %swap3A_784 : i32 to index
    %swap3A_786 = arith.constant 0 : index
    %swap3A_787 = tpu.vector_load %arg7[%swap3A_785, %swap3A_786] {strides = array<i32>} : memref<4x16xf32, #tpu.memory_space<vmem>>, vector<16xf32>,
    tpu.vector_store %arg7[%swap3A_785, %swap3A_786], %add3A_772 {strides = array<i32>} : memref<4x16xf32, #tpu.memory_space<vmem>>, vector<16xf32>,
    "tpu.region"() ({
      %run_scoped3A = tpu.sem_alloc : memref<!tpu.dma_semaphore, #tpu.memory_space<semaphore_mem>>
      %dma_start3A_788 = arith.constant 0 : i32
      %dma_start3A_789 = arith.constant 0 : i32
      %dma_start3A_790 = tpu.memref_slice %arg4[%add3A, %dma_start3A_788, %dma_start3A_789] : memref<32x4x16xf32, #tpu.memory_space<hbm>> -> memref<1x4x16xf32, #tpu.memory_space<hbm>>
      %dma_start3A_791 = tpu.memref_squeeze %dma_start3A_790 : memref<1x4x16xf32, #tpu.memory_space<hbm>> -> memref<4x16xf32, #tpu.memory_space<hbm>>
      %dma_start3A_792 = arith.constant 0 : i32
      %dma_start3A_793 = arith.constant 0 : i32
      %dma_start3A_794 = tpu.memref_slice %arg4[%add3A, %dma_start3A_792, %dma_start3A_793] : memref<32x4x16xf32, #tpu.memory_space<hbm>> -> memref<1x4x16xf32, #tpu.memory_space<hbm>>
      %dma_start3A_795 = tpu.memref_squeeze %dma_start3A_794 : memref<1x4x16xf32, #tpu.memory_space<hbm>> -> memref<4x16xf32, #tpu.memory_space<hbm>>
      tpu.enqueue_dma source(%arg7 : memref<4x16xf32, #tpu.memory_space<vmem>>) target(%dma_start3A_795 : memref<4x16xf32, #tpu.memory_space<hbm>>) target_semaphore(%run_scoped3A : memref<!tpu.dma_semaphore, #tpu.memory_space<semaphore_mem>>)
      %dma_wait3A_796 = arith.constant 0 : i32
      %dma_wait3A_797 = arith.constant 0 : i32
      %dma_wait3A_798 = tpu.memref_slice %arg4[%add3A, %dma_wait3A_796, %dma_wait3A_797] : memref<32x4x16xf32, #tpu.memory_space<hbm>> -> memref<1x4x16xf32, #tpu.memory_space<hbm>>
      %dma_wait3A_799 = tpu.memref_squeeze %dma_wait3A_798 : memref<1x4x16xf32, #tpu.memory_space<hbm>> -> memref<4x16xf32, #tpu.memory_space<hbm>>
      %dma_wait3A_800 = arith.constant 0 : i32
      %dma_wait3A_801 = arith.constant 0 : i32
      %dma_wait3A_802 = tpu.memref_slice %arg4[%add3A, %dma_wait3A_800, %dma_wait3A_801] : memref<32x4x16xf32, #tpu.memory_space<hbm>> -> memref<1x4x16xf32, #tpu.memory_space<hbm>>
      %dma_wait3A_803 = tpu.memref_squeeze %dma_wait3A_802 : memref<1x4x16xf32, #tpu.memory_space<hbm>> -> memref<4x16xf32, #tpu.memory_space<hbm>>
      tpu.wait_dma2 semaphore(%run_scoped3A : memref<!tpu.dma_semaphore, #tpu.memory_space<semaphore_mem>>) src(%arg7 : memref<4x16xf32, #tpu.memory_space<vmem>>) dst(%dma_wait3A_803 : memref<4x16xf32, #tpu.memory_space<hbm>>)
      tpu.yield
    }) : () -> ()
    return
  }
}

</mosaic_0001>

<sc_bundles>
// kernel: _sc_gather_sum.3.cloned.1.call-start
scs
__scs_entry_jumppad:
0x0: {  	(pc) =	sbr.rel $0x88, $3  }
0x1: {  	(tag) =	ssettag $0x0;
	lr =	simm.s32 $0x1  }
0x2: {  	[smem:$0x3F9F] =	sst lr;
	_ =	strace $0xD0000000  }
0x3: {  	_ = 	snop  }
0x4: {  	_ = 	snop  }
0x5: {  	_ = 	snop  }
0x6: {  	_ = 	snop  }
0x7: {  	_ = 	snop  }
__scs_overlays_trampoline_lowered:
0x8: {  	[smem:$0x3FAE] =	sst s0  }
0x9: {  	[smem:$0x3FAF] =	sst s1  }
0xa: {  	[smem:$0x3FB0] =	sst s2  }
0xb: {  	[smem:$0x3FB1] =	sst s3  }
0xc: {  	[smem:$0x3FB2] =	sst s4  }
0xd: {  	[smem:$0x3FB3] =	sst s5  }
0xe: {  	[smem:$0x3FB4] =	sst s6  }
0xf: {  	[smem:$0x3FB5] =	sst s7  }
0x10: {  	[smem:$0x3FB6] =	sst s8  }
0x11: {  	[smem:$0x3FB7] =	sst s9;
	s0 =	simm.s32 @!p0 $0x0  }
0x12: {  	s1 =	sld [smem:$0x3F9D];
	s0 =	simm.s32 @p0 $0x1  }
0x13: {  	[smem:$0x3FB8] =	sst s0;
	s0 =	simm.s32 @!p1 $0x0  }
0x14: {  	s2 =	sld [smem:$0x3F9C];
	s0 =	simm.s32 @p1 $0x1  }
0x15: {  	[smem:$0x3FB9] =	sst s0;
	s0 =	simm.s32 @!p2 $0x0  }
0x16: {  	s3 =	sld [smem:$0x3FDB];
	s0 =	simm.s32 @p2 $0x1  }
0x17: {  	s4 =	simm.s32 $0x1BF5;
	[smem:$0x3FBB] =	sst s0  }
0x18: {  	s0 =	sld [smem:$0x3F9E];
	_ =	swait.ge [sflag:s4], $0x0  }
0x19: {  	s7 =	sld [smem:$0x3F9F]  }
0x1a: {  	s8 =	sadd.s32 $0xFFFFE003, lr  }
0x1b: {  	s9 =	sadd.s32 $0xFFFFFEF7, lr;
	s5 =	simm.s32 $0xFFFFFFFF;
	p2 =	slt.u32 s8, $0xFFFFF086  }
0x1c: {  	p1 =	slt.u32 s9, $0xF7A;
	s5 =	simm.s32 @!p2 $0x0  }
0x1d: {  	s5 =	simm.s32 @p1 $0x1;
	p0 =	seq.s32 s7, s2  }
0x1e: {  	s7 =	smul.u32 @!p0 $0xF7A, s2;
	p2 =	seq.s32 @!p0 s5, $0x0  }
0x1f: {  	s9 =	smul.u32 $0xF7A, s1;
	s8 =	simm.s32 @!p0 $0x1BF5;
	p2 =	por !p2, p0  }
0x20: {  	[sflag:s8] =	ssyncset.s32 @!p0 $0xFFFFF086;
	s6 =	sadd.s32 @!p0 s3, s7;
	s7 =	simm.s32 @!p0 $0x108  }
0x21: {  	s3 =	sadd.s32 s3, s9;
	s6 =	sadd.s32 @!p0 $0x88, s6;
	s7 =	simm.s32 @p2 $0x1082  }
0x22: {  	[simem:s7], [sflag:s8] =	dma.local @!p0 [hbm:s6], $0xF7A  }
0x23: {  	s9 =	sor.u32 $0xD0000000, s2;
	s6 =	simm.s32 $0x108;
	_ =	swait.ge @!p0 [sflag:s8], $0x0  }
0x24: {  	s3 =	sadd.s32 $0x88, s3;
	s6 =	simm.s32 @!p1 $0x1082;
	[sflag:s4] =	ssyncset.s32 $0xFFFFF086  }
0x25: {  	[simem:s6], [sflag:s4] =	dma.local [hbm:s3], $0xF7A  }
0x26: {  	[smem:$0x3F9F] =	sst s1;
	(tag) =	ssettag s2;
	_ =	strace s9  }
0x27: {  	s1 =	sld [smem:$0x3FAF]  }
0x28: {  	s2 =	sld [smem:$0x3FB0]  }
0x29: {  	s4 =	sld [smem:$0x3FB2]  }
0x2a: {  	p0 =	seq.s32 s5, $0x0;
	s5 =	sld [smem:$0x3FB3]  }
0x2b: {  	s6 =	sld [smem:$0x3FB4]  }
0x2c: {  	s7 =	sld [smem:$0x3FB5]  }
0x2d: {  	s3 =	simm.s32 $0x108;
	s8 =	sld [smem:$0x3FB6]  }
0x2e: {  	s3 =	simm.s32 @!p0 $0x1082;
	s9 =	sld [smem:$0x3FB7]  }
0x2f: {  	lr =	sadd.s32 s0, s3;
	s0 =	sld [smem:$0x3FAE]  }
0x30: {  	s3 =	sld [smem:$0x3FB1]  }
0x31: {  	[smem:$0x3FBA] =	sst s10  }
0x32: {  	s10 =	sld [smem:$0x3FB8];
	_ =	sdelay $0x3  }
0x33: {  	p0 =	seq.s32 s10, $0x1;
	s10 =	sld [smem:$0x3FBA];
	_ =	sdelay $0x3  }
0x34: {  	[smem:$0x3FBA] =	sst s10  }
0x35: {  	s10 =	sld [smem:$0x3FB9];
	_ =	sdelay $0x3  }
0x36: {  	p1 =	seq.s32 s10, $0x1;
	s10 =	sld [smem:$0x3FBA];
	_ =	sdelay $0x3  }
0x37: {  	[smem:$0x3FBA] =	sst s10  }
0x38: {  	s10 =	sld [smem:$0x3FBB]  }
0x39: {  	_ = 	snop;
	(pc) =	sbr.ind lr, $3  }
0x3a: {  	_ = 	snop  }
0x3b: {  	_ = 	snop  }
0x3c: {  	p2 =	seq.s32 s10, $0x1;
	s10 =	sld [smem:$0x3FBA]  }
0x3d: {  	_ =	shalt  }
0x3e: {  	_ =	shalt  }
0x3f: {  	_ =	shalt  }
0x40: {  	_ =	shalt  }
0x41: {  	_ =	shalt  }
0x42: {  	_ =	shalt  }
0x43: {  	_ =	shalt  }
0x44: {  	_ =	shalt  }
0x45: {  	_ =	shalt  }
0x46: {  	_ =	shalt  }
0x47: {  	_ =	shalt  }
0x48: {  	_ =	shalt  }
0x49: {  	_ =	shalt  }
0x4a: {  	_ =	shalt  }
0x4b: {  	_ =	shalt  }
0x4c: {  	_ =	shalt  }
0x4d: {  	_ =	shalt  }
0x4e: {  	_ =	shalt  }
0x4f: {  	_ =	shalt  }
0x50: {  	_ =	shalt  }
0x51: {  	_ =	shalt  }
0x52: {  	_ =	shalt  }
0x53: {  	_ =	shalt  }
0x54: {  	_ =	shalt  }
0x55: {  	_ =	shalt  }
0x56: {  	_ =	shalt  }
0x57: {  	_ =	shalt  }
0x58: {  	_ =	shalt  }
0x59: {  	_ =	shalt  }
0x5a: {  	_ =	shalt  }
0x5b: {  	_ =	shalt  }
0x5c: {  	_ =	shalt  }
0x5d: {  	_ =	shalt  }
0x5e: {  	_ =	shalt  }
0x5f: {  	_ =	shalt  }
0x60: {  	_ =	shalt  }
0x61: {  	_ =	shalt  }
0x62: {  	_ =	shalt  }
0x63: {  	_ =	shalt  }
0x64: {  	_ =	shalt  }
0x65: {  	_ =	shalt  }
0x66: {  	_ =	shalt  }
0x67: {  	_ =	shalt  }
0x68: {  	_ =	shalt  }
0x69: {  	_ =	shalt  }
0x6a: {  	_ =	shalt  }
0x6b: {  	_ =	shalt  }
0x6c: {  	_ =	shalt  }
0x6d: {  	_ =	shalt  }
0x6e: {  	_ =	shalt  }
0x6f: {  	_ =	shalt  }
0x70: {  	_ =	shalt  }
0x71: {  	_ =	shalt  }
0x72: {  	_ =	shalt  }
0x73: {  	_ =	shalt  }
0x74: {  	_ =	shalt  }
0x75: {  	_ =	shalt  }
0x76: {  	_ =	shalt  }
0x77: {  	_ =	shalt  }
0x78: {  	_ =	shalt  }
0x79: {  	_ =	shalt  }
0x7a: {  	_ =	shalt  }
0x7b: {  	_ =	shalt  }
0x7c: {  	_ =	shalt  }
0x7d: {  	_ =	shalt  }
0x7e: {  	_ =	shalt  }
0x7f: {  	_ =	shalt  }
0x80: {  	_ =	shalt  }
0x81: {  	_ =	shalt  }
0x82: {  	_ =	shalt  }
0x83: {  	_ =	shalt  }
0x84: {  	_ =	shalt  }
0x85: {  	_ =	shalt  }
0x86: {  	_ =	shalt  }
0x87: {  	_ =	shalt  }
.Lfunc_end0:
.L_simem_size_0:
called_computation_lowered:
.L_overlay_start_0:
0x88: {  	s2 =	sld [smem:$0x3FD9]  }
0x89: {  	s3 =	sld [smem:$0x3FFE];
	_ =	sdelay $0x1  }
0x8a: {  	s1 =	srdreg.scid  }
0x8b: {  	s0 =	sand.u32 $0x1, s1  }
0x8c: {  	s17 =	sshll.u32 s0, $0xA;
	s2 =	sadd.s32 s3, s2  }
0x8d: {  	s2 =	sadd.s32 s2, s17  }
0x8e: {  	[smem:$0x3FC6] =	sst s2  }
0x8f: {  	_ = 	snop  }
0x90: {  	s2 =	sld [smem:$0x3FC9]  }
0x91: {  	s18 =	sld [smem:$0x3FC8];
	(tm) =	ssettm $0x1  }
0x92: {  	s4 =	sld [smem:$0x3FFB];
	_ =	sdelay $0x3  }
0x93: {  	_ =	strace s4  }
0x94: {  	s4 =	sld [smem:$0x3FFC];
	_ =	sdelay $0x3  }
0x95: {  	_ =	strace s4  }
0x96: {  	s4 =	sld [smem:$0x3FFD];
	_ =	sdelay $0x3  }
0x97: {  	_ =	strace s4  }
0x98: {  	_ =	strace $0x8FFFFFFF  }
0x99: {  	s19 =	sld [smem:$0x3FDB];
	_ =	sdelay $0x1  }
0x9a: {  	s5 =	simm.s32 $_scs_section_size  }
0x9b: {  	s6 =	simm.s32 $_size__tile_overlayer_lowered;
	s7 =	simm.s32 $_tile_overlayer_lowered  }
0x9c: {  	s22 =	simm.s32 $0x1BFF;
	s21 =	sshll.u32 s7, $0x1;
	s4 =	sadd.s32 s5, s19  }
0x9d: {  	s8 =	simm.s32 $0x0;
	s20 =	sshll.u32 s6, $0x1;
	s6 =	sadd.s32 s21, s4  }
0x9e: {  	[timem:s8], [sflag:s22] =	dma.local [hbm:s6], s20  }
0x9f: {  	_ =	swait.ge [sflag:s22], s20  }
0xa0: {  	s5 =	ssub.s32 $0x0, s20;
	[sflag:s22] =	ssyncset.done $0x0  }
0xa1: {  	[sflag:s22] =	ssyncadd.s32 s5;
	_ =	sdelay $0x1  }
0xa2: {  	s23 =	simm.s32 $0x1B8B  }
0xa3: {  	_ =	swait.ge [sflag:s23], $0x1  }
0xa4: {  	[sflag:s23] =	ssyncset.done $0x0  }
0xa5: {  	s25 =	simm.s32 $0x1B8E;
	s24 =	sld [smem:$0x3FFE];
	[sflag:s23] =	ssyncadd.s32 $0xFFFFFFFF  }
0xa6: {  	s26 =	simm.s32 $execute0_lowered;
	[smem:$0x3FD2] =	sst s25  }
0xa7: {  	s6 =	sshll.u32 s26, $0x1;
	_ =	strace $0x80000046;
	[dreg:$0x1] =	wrdreg $0xFFFFFFFF  }
0xa8: {  	s28 =	simm.s32 $_size_execute0_lowered;
	s4 =	sadd.s32 s4, s6;
	[dreg:$0x0] =	wrdreg $0x0  }
0xa9: {  	s6 =	sshll.u32 s28, $0x1;
	[dreg:$0x2] =	wrdreg s4  }
0xaa: {  	[dreg:$0x3] =	wrdreg s6  }
0xab: {  	[dreg:$0x4] =	wrdreg $0xC0  }
0xac: {  	_ =	task [dreg:s8], $0x5FFFF  }
0xad: {  	[dreg:$0x1] =	wrdreg $0xFFFFFFFF  }
0xae: {  	[dreg:$0x0] =	wrdreg $0x60  }
0xaf: {  	[dreg:$0x2] =	wrdreg s2  }
0xb0: {  	[dreg:$0x3] =	wrdreg s18  }
0xb1: {  	[dreg:$0x4] =	wrdreg s24  }
0xb2: {  	[dreg:$0x5] =	wrdreg $0x9  }
0xb3: {  	_ =	task.clear_ibuf [dreg:s8], $0x6FFFF;
	_ =	strace $0x90000046  }
0xb4: {  	s29 =	simm.s32 $0x9;
	_ =	strace $0x80000048  }
0xb5: {  	_ =	swait.ge [sflag:s29], $0x1  }
0xb6: {  	[sflag:s29] =	ssyncadd.s32 $0xFFFFFFFF  }
0xb7: {  	_ =	strace $0x90000048  }
0xb8: {  	_ =	sfence  }
0xb9: {  	s30 =	sld [smem:$0x0];
	_ =	sdelay $0x2  }
0xba: {  	s31 =	sshll.u32 s1, $0xD;
	s1 =	sshrl.u32 s1, $0x2  }
0xbb: {  	s3 =	sand.u32 $0x4000, s31;
	s1 =	sadd.s32 s1, s30  }
0xbc: {  	s0 =	sor.u32 s3, s0;
	s1 =	sshll.u32 s1, $0x11  }
0xbd: {  	s0 =	sor.u32 s1, s0  }
0xbe: {  	s0 =	sadd.s32 $0x8F2B, s0  }
0xbf: {  	[sflag:s0] =	ssyncadd.remote.s32 $0x1  }
0xc0: {  	_ =	sfence.sel $0xFFFF  }
0xc1: {  	[dreg:$0x0] =	wrdreg $0xFFFFFFFF;
	(pc) =	sbr.abs _section_cstart, $3  }
0xc2: {  	[dreg:$0x1] =	wrdreg $0xFFFFFFFF  }
0xc3: {  	_ =	task.clear_ibuf [dreg:s8], $0x2FFFF;
	_ =	strace $0x9FFFFFFF  }
0xc4: {  	(tm) =	ssettm $0x7FFFFFFF  }
0xc5: {  	_ =	shalt  }
tec
execute0_lowered:
.L_overlay_start_1:
0x0: {  	(tag) =	ssettag $0x1  }
0x1: {  	s0 =	rddreg [dreg:$0x0]  }
0x2: {  	s2 =	rddreg [dreg:$0x1]  }
0x3: {  	s1 =	srdreg.scid;
	s6 =	rddreg [dreg:$0x2];
	s4 =	simm.s32 $0x0  }
0x4: {  	s8 =	simm.s32 $0x7A1400;
	s9 =	simm.s32 $0x100;
	s10 =	simm.s32 $0x2100  }
0x5: {  	s11 =	simm.s32 $0x4100;
	s12 =	simm.s32 $0x6100;
	s13 =	simm.s32 $0x8100  }
0x6: {  	s14 =	simm.s32 $0xA100;
	s15 =	simm.s32 $0x1;
	s16 =	simm.s32 $0x2  }
0x7: {  	s17 =	simm.s32 $0x3;
	s18 =	simm.s32 $0x4;
	s19 =	simm.s32 $0x5  }
0x8: {  	s20 =	simm.s32 $0x6;
	s22 =	simm.s32 $0xE100;
	[dreg:$0x4] =	wrdreg s0  }
0x9: {  	s5 =	sand.u32 $0x1, s1;
	s0 =	stileid.u32;
	s1 =	rddreg [dreg:$0x3]  }
0xa: {  	[smem:$0x7FF] =	sst s4;
	s3 =	sshll.u32 s5, $0x4;
	s5 =	ssub.s32 $0x2, s5  }
0xb: {  	_ =	strace $0x80000047;
	s21 =	sor.u32 s0, s3;
	s31 =	sshrl.u32 s5, $0x1  }
0xc: {  	v2 =	vlaneseq.u32;
	[dreg:$0x6] =	wrdreg s22;
	s7 =	sshll.u32 s21, $0x6;
	s5 =	ssub.s32 s5, s31  }
0xd: {  	v1 =	vmul.u32 $0x80, v2;
	v0 =	vmov s0;
	p0 =	sgt.u32 s21, $0x7;
	p1 =	slt.u32 s21, $0x8;
	s6 =	sadd.s32 s7, s6  }
0xe: {  	vm0 =	veq.s32 v0, v2;
	s21 =	simm.s32 $0xC100;
	s5 =	smax.u32 s5, $0x1;
	s6 =	sadd.s32 $0x400, s6  }
0xf: {  	v2 =	vor.u32 $0x800, v1;
	v3 =	vor.u32 $0x1000, v1;
	v4 =	vor.u32 $0x1800, v1;
	s7 =	simm.s32 $0x400;
	[dreg:$0x5] =	wrdreg s6;
	s6 =	simm.s32 $0x8  }
.LBB2_1:
0x10: {  	s22 =	rddreg [dreg:$0x4]  }
0x11: {  	[tilespmem:s4], [sflag:$0x8] =	stream.linear.gather [hbm4b:s22+s4], $0xC8, $0x38;
	[tilespmem:$0xE300] =	vst v63  }
0x12: {  	_ =	swait.ge [sflag:s6], $0xC8  }
0x13: {  	[sflag:s6] =	ssyncset.done $0x0  }
0x14: {  	[sflag:s6] =	ssyncadd.s32 $0xFFFFFF38  }
0x15: {  	v5 =	vld [tilespmem:s3+$0x0];
	_ =	sdelay $0x4  }
0x16: {  	v5 =	vnsel vm0, $0x0, v5  }
0x17: {  	(xrf0) =	vadd.scan.msk.s32 $0xffff, v5;
	_ =	sdelay $0x5  }
0x18: {  	v5, _, _ =	vpop (xrf0)  }
0x19: {  	(v2sf) =	vpush v5, $0xF;
	_ =	sdelay $0xe  }
0x1a: {  	s24 =	spop (v2sf)  }
0x1b: {  	s22 =	sand.u32 $0xFFFFF80, s24  }
0x1c: {  	s22 =	sadd.s32 s2, s22  }
0x1d: {  	[tilespmem:s9], [sflag:$0x1] =	stream.strided.gather [hbm4b:s22+s7], $0x2000, s8, s7, $0x38;
	[tilespmem:$0xE300] =	vst v63  }
0x1e: {  	v5 =	vld [tilespmem:s3+$0x20];
	_ =	sdelay $0x4  }
0x1f: {  	v5 =	vnsel vm0, $0x0, v5  }
0x20: {  	(xrf0) =	vadd.scan.msk.s32 $0xffff, v5;
	_ =	sdelay $0x5  }
0x21: {  	v5, _, _ =	vpop (xrf0)  }
0x22: {  	(v2sf) =	vpush v5, $0xF;
	_ =	sdelay $0xe  }
0x23: {  	s25 =	spop (v2sf)  }
0x24: {  	s22 =	sand.u32 $0xFFFFF80, s25  }
0x25: {  	s22 =	sadd.s32 s2, s22  }
0x26: {  	[tilespmem:s10], [sflag:$0x2] =	stream.strided.gather [hbm4b:s22+s7], $0x2000, s8, s7, $0x38;
	[tilespmem:$0xE300] =	vst v63  }
0x27: {  	v5 =	vld [tilespmem:s3+$0x40];
	_ =	sdelay $0x4  }
0x28: {  	v5 =	vnsel vm0, $0x0, v5  }
0x29: {  	(xrf0) =	vadd.scan.msk.s32 $0xffff, v5;
	_ =	sdelay $0x5  }
0x2a: {  	v5, _, _ =	vpop (xrf0)  }
0x2b: {  	(v2sf) =	vpush v5, $0xF;
	_ =	sdelay $0xe  }
0x2c: {  	s26 =	spop (v2sf)  }
0x2d: {  	s22 =	sand.u32 $0xFFFFF80, s26  }
0x2e: {  	s22 =	sadd.s32 s2, s22  }
0x2f: {  	[tilespmem:s11], [sflag:$0x3] =	stream.strided.gather [hbm4b:s22+s7], $0x2000, s8, s7, $0x38;
	[tilespmem:$0xE300] =	vst v63  }
0x30: {  	v5 =	vld [tilespmem:s3+$0x60];
	_ =	sdelay $0x4  }
0x31: {  	v5 =	vnsel vm0, $0x0, v5  }
0x32: {  	(xrf0) =	vadd.scan.msk.s32 $0xffff, v5;
	_ =	sdelay $0x5  }
0x33: {  	v5, _, _ =	vpop (xrf0)  }
0x34: {  	(v2sf) =	vpush v5, $0xF;
	_ =	sdelay $0xe  }
0x35: {  	s28 =	spop (v2sf)  }
0x36: {  	s22 =	sand.u32 $0xFFFFF80, s28  }
0x37: {  	s22 =	sadd.s32 s2, s22  }
0x38: {  	[tilespmem:s12], [sflag:$0x4] =	stream.strided.gather [hbm4b:s22+s7], $0x2000, s8, s7, $0x38;
	[tilespmem:$0xE300] =	vst v63  }
0x39: {  	v5 =	vld [tilespmem:s3+$0x80];
	_ =	sdelay $0x4  }
0x3a: {  	v5 =	vnsel vm0, $0x0, v5  }
0x3b: {  	(xrf0) =	vadd.scan.msk.s32 $0xffff, v5;
	_ =	sdelay $0x5  }
0x3c: {  	v5, _, _ =	vpop (xrf0)  }
0x3d: {  	(v2sf) =	vpush v5, $0xF;
	_ =	sdelay $0xe  }
0x3e: {  	s29 =	spop (v2sf)  }
0x3f: {  	s22 =	sand.u32 $0xFFFFF80, s29  }
0x40: {  	s22 =	sadd.s32 s2, s22  }
0x41: {  	[tilespmem:s13], [sflag:$0x5] =	stream.strided.gather [hbm4b:s22+s7], $0x2000, s8, s7, $0x38;
	[tilespmem:$0xE300] =	vst v63  }
0x42: {  	v5 =	vld [tilespmem:s3+$0xA0];
	_ =	sdelay $0x4  }
0x43: {  	v5 =	vnsel vm0, $0x0, v5  }
0x44: {  	(xrf0) =	vadd.scan.msk.s32 $0xffff, v5;
	_ =	sdelay $0x5  }
0x45: {  	v5, _, _ =	vpop (xrf0)  }
0x46: {  	(v2sf) =	vpush v5, $0xF;
	_ =	sdelay $0xe  }
0x47: {  	s30 =	spop (v2sf)  }
0x48: {  	s22 =	sand.u32 $0xFFFFF80, s30  }
0x49: {  	s22 =	sadd.s32 s2, s22  }
0x4a: {  	[tilespmem:s14], [sflag:$0x6] =	stream.strided.gather [hbm4b:s22+s7], $0x2000, s8, s7, $0x38;
	[tilespmem:$0xE300] =	vst v63  }
0x4b: {  	v5 =	vld @!p0 [tilespmem:s3+$0xC0];
	_ =	sdelay $0x2  }
0x4c: {  	v6 =	vlaneseq.u32 @!p0  }
0x4d: {  	vm1 =	veq.s32 @!p0 v0, v6  }
0x4e: {  	v5 =	vnsel @!p0 vm1, $0x0, v5  }
0x4f: {  	(xrf0) =	vadd.scan.msk.s32 @!p0 $0xffff, v5;
	_ =	sdelay $0x5  }
0x50: {  	v5, _, _ =	vpop @!p0 (xrf0)  }
0x51: {  	(v2sf) =	vpush @!p0 v5, $0xF;
	_ =	sdelay $0xe  }
0x52: {  	s22 =	spop @!p0 (v2sf)  }
0x53: {  	s23 =	simm.s32 @!p0 $0x400;
	s22 =	sand.u32 @!p0 $0xFFFFF80, s22  }
0x54: {  	s24 =	simm.s32 @!p0 $0x7A1400;
	s25 =	simm.s32 @!p0 $0xC100;
	s22 =	sadd.s32 @!p0 s2, s22  }
0x55: {  	[tilespmem:s25], [sflag:$0x7] =	stream.strided.gather @!p0 [hbm4b:s22+s23], $0x2000, s24, s23, $0x38;
	[tilespmem:$0xE300] =	vst v63  }
0x56: {  	_ =	swait.ge [sflag:s15], $0x2000  }
0x57: {  	[sflag:s15] =	ssyncset.done $0x0  }
0x58: {  	[sflag:s15] =	ssyncadd.s32 $0xFFFFE000  }
0x59: {  	v5 =	vld [tilespmem:s3+$0x0];
	_ =	sdelay $0x4  }
0x5a: {  	v5 =	vnsel vm0, $0x0, v5  }
0x5b: {  	(xrf0) =	vadd.scan.msk.s32 $0xffff, v5;
	_ =	sdelay $0x5  }
0x5c: {  	v5, _, _ =	vpop (xrf0)  }
0x5d: {  	(v2sf) =	vpush v5, $0xF;
	_ =	sdelay $0xe  }
0x5e: {  	s31 =	spop (v2sf)  }
0x5f: {  	s22 =	sand.u32 $0x7F, s31  }
0x60: {  	v5 =	vor.u32 s22, v1  }
0x61: {  	v6 =	vor.u32 s22, v2  }
0x62: {  	v7 =	vor.u32 s22, v3  }
0x63: {  	v8 =	vor.u32 s22, v4;
	_ =	sdelay $0x1  }
0x64: {  	v5 =	vld.idx.msk [tilespmem:v5+s9+$0x0], $0xffff  }
0x65: {  	v6 =	vld.idx.msk [tilespmem:v6+s9+$0x0], $0xffff  }
0x66: {  	v7 =	vld.idx.msk [tilespmem:v7+s9+$0x0], $0xffff  }
0x67: {  	v8 =	vld.idx.msk [tilespmem:v8+s9+$0x0], $0xffff;
	_ =	swait.ge [sflag:s16], $0x2000  }
0x68: {  	[sflag:s16] =	ssyncset.done $0x0  }
0x69: {  	[sflag:s16] =	ssyncadd.s32 $0xFFFFE000  }
0x6a: {  	v9 =	vld [tilespmem:s3+$0x20];
	_ =	sdelay $0x4  }
0x6b: {  	v9 =	vnsel vm0, $0x0, v9  }
0x6c: {  	(xrf0) =	vadd.scan.msk.s32 $0xffff, v9;
	_ =	sdelay $0x5  }
0x6d: {  	v9, _, _ =	vpop (xrf0)  }
0x6e: {  	(v2sf) =	vpush v9, $0xF;
	_ =	sdelay $0xe  }
0x6f: {  	s23 =	spop (v2sf)  }
0x70: {  	s22 =	sand.u32 $0x7F, s23  }
0x71: {  	v52 =	vor.u32 s22, v1  }
0x72: {  	v10 =	vor.u32 s22, v2  }
0x73: {  	v11 =	vor.u32 s22, v3  }
0x74: {  	v12 =	vor.u32 s22, v4;
	_ =	sdelay $0x1  }
0x75: {  	v9 =	vld.idx.msk [tilespmem:v52+s10+$0x0], $0xffff  }
0x76: {  	v10 =	vld.idx.msk [tilespmem:v10+s10+$0x0], $0xffff  }
0x77: {  	v11 =	vld.idx.msk [tilespmem:v11+s10+$0x0], $0xffff  }
0x78: {  	v12 =	vld.idx.msk [tilespmem:v12+s10+$0x0], $0xffff;
	_ =	swait.ge [sflag:s17], $0x2000  }
0x79: {  	[sflag:s17] =	ssyncset.done $0x0  }
0x7a: {  	[sflag:s17] =	ssyncadd.s32 $0xFFFFE000  }
0x7b: {  	v13 =	vld [tilespmem:s3+$0x40];
	_ =	sdelay $0x4  }
0x7c: {  	v13 =	vnsel vm0, $0x0, v13  }
0x7d: {  	(xrf0) =	vadd.scan.msk.s32 $0xffff, v13;
	_ =	sdelay $0x5  }
0x7e: {  	v13, _, _ =	vpop (xrf0)  }
0x7f: {  	(v2sf) =	vpush v13, $0xF;
	_ =	sdelay $0xe  }
0x80: {  	s24 =	spop (v2sf)  }
0x81: {  	s22 =	sand.u32 $0x7F, s24  }
0x82: {  	v53 =	vor.u32 s22, v1  }
0x83: {  	v14 =	vor.u32 s22, v2  }
0x84: {  	v15 =	vor.u32 s22, v3  }
0x85: {  	v16 =	vor.u32 s22, v4;
	_ =	sdelay $0x1  }
0x86: {  	v13 =	vld.idx.msk [tilespmem:v53+s11+$0x0], $0xffff  }
0x87: {  	v14 =	vld.idx.msk [tilespmem:v14+s11+$0x0], $0xffff  }
0x88: {  	v15 =	vld.idx.msk [tilespmem:v15+s11+$0x0], $0xffff  }
0x89: {  	v16 =	vld.idx.msk [tilespmem:v16+s11+$0x0], $0xffff;
	_ =	swait.ge [sflag:s18], $0x2000  }
0x8a: {  	[sflag:s18] =	ssyncset.done $0x0  }
0x8b: {  	[sflag:s18] =	ssyncadd.s32 $0xFFFFE000  }
0x8c: {  	v17 =	vld [tilespmem:s3+$0x60];
	_ =	sdelay $0x4  }
0x8d: {  	v17 =	vnsel vm0, $0x0, v17  }
0x8e: {  	(xrf0) =	vadd.scan.msk.s32 $0xffff, v17;
	_ =	sdelay $0x5  }
0x8f: {  	v17, _, _ =	vpop (xrf0)  }
0x90: {  	(v2sf) =	vpush v17, $0xF;
	_ =	sdelay $0xe  }
0x91: {  	s25 =	spop (v2sf)  }
0x92: {  	s22 =	sand.u32 $0x7F, s25  }
0x93: {  	v54 =	vor.u32 s22, v1  }
0x94: {  	v18 =	vor.u32 s22, v2  }
0x95: {  	v19 =	vor.u32 s22, v3  }
0x96: {  	v20 =	vor.u32 s22, v4;
	_ =	sdelay $0x1  }
0x97: {  	v17 =	vld.idx.msk [tilespmem:v54+s12+$0x0], $0xffff  }
0x98: {  	v18 =	vld.idx.msk [tilespmem:v18+s12+$0x0], $0xffff  }
0x99: {  	v19 =	vld.idx.msk [tilespmem:v19+s12+$0x0], $0xffff  }
0x9a: {  	v20 =	vld.idx.msk [tilespmem:v20+s12+$0x0], $0xffff;
	_ =	swait.ge [sflag:s19], $0x2000  }
0x9b: {  	[sflag:s19] =	ssyncset.done $0x0  }
0x9c: {  	[sflag:s19] =	ssyncadd.s32 $0xFFFFE000  }
0x9d: {  	v21 =	vld [tilespmem:s3+$0x80];
	_ =	sdelay $0x4  }
0x9e: {  	v21 =	vnsel vm0, $0x0, v21  }
0x9f: {  	(xrf0) =	vadd.scan.msk.s32 $0xffff, v21;
	_ =	sdelay $0x5  }
0xa0: {  	v21, _, _ =	vpop (xrf0)  }
0xa1: {  	(v2sf) =	vpush v21, $0xF;
	_ =	sdelay $0xe  }
0xa2: {  	s26 =	spop (v2sf)  }
0xa3: {  	s22 =	sand.u32 $0x7F, s26  }
0xa4: {  	v55 =	vor.u32 s22, v1  }
0xa5: {  	v22 =	vor.u32 s22, v2  }
0xa6: {  	v23 =	vor.u32 s22, v3  }
0xa7: {  	v24 =	vor.u32 s22, v4;
	_ =	sdelay $0x1  }
0xa8: {  	v21 =	vld.idx.msk [tilespmem:v55+s13+$0x0], $0xffff  }
0xa9: {  	v22 =	vld.idx.msk [tilespmem:v22+s13+$0x0], $0xffff  }
0xaa: {  	v23 =	vld.idx.msk [tilespmem:v23+s13+$0x0], $0xffff  }
0xab: {  	v24 =	vld.idx.msk [tilespmem:v24+s13+$0x0], $0xffff;
	_ =	swait.ge [sflag:s20], $0x2000  }
0xac: {  	[sflag:s20] =	ssyncset.done $0x0  }
0xad: {  	[sflag:s20] =	ssyncadd.s32 $0xFFFFE000  }
0xae: {  	v25 =	vld [tilespmem:s3+$0xA0];
	_ =	sdelay $0x4  }
0xaf: {  	v25 =	vnsel vm0, $0x0, v25  }
0xb0: {  	(xrf0) =	vadd.scan.msk.s32 $0xffff, v25;
	_ =	sdelay $0x5  }
0xb1: {  	v25, _, _ =	vpop (xrf0)  }
0xb2: {  	(v2sf) =	vpush v25, $0xF;
	_ =	sdelay $0xe  }
0xb3: {  	s28 =	spop (v2sf)  }
0xb4: {  	s22 =	sand.u32 $0x7F, s28  }
0xb5: {  	v56 =	vor.u32 s22, v1  }
0xb6: {  	v26 =	vor.u32 s22, v2  }
0xb7: {  	v27 =	vor.u32 s22, v3  }
0xb8: {  	v28 =	vor.u32 s22, v4;
	_ =	sdelay $0x1  }
0xb9: {  	v25 =	vld.idx.msk [tilespmem:v56+s14+$0x0], $0xffff  }
0xba: {  	v26 =	vld.idx.msk [tilespmem:v26+s14+$0x0], $0xffff  }
0xbb: {  	s22 =	simm.s32 @!p0 $0x7;
	v27 =	vld.idx.msk [tilespmem:v27+s14+$0x0], $0xffff  }
0xbc: {  	v28 =	vld.idx.msk [tilespmem:v28+s14+$0x0], $0xffff;
	_ =	swait.ge @!p0 [sflag:s22], $0x2000  }
0xbd: {  	[sflag:s22] =	ssyncset.done @!p0 $0x0  }
0xbe: {  	[sflag:s22] =	ssyncadd.s32 @!p0 $0xFFFFE000  }
0xbf: {  	v29 =	vld [tilespmem:s3+$0xC0];
	_ =	sdelay $0x4  }
0xc0: {  	v29 =	vnsel vm0, $0x0, v29  }
0xc1: {  	(xrf0) =	vadd.scan.msk.s32 $0xffff, v29;
	_ =	sdelay $0x5  }
0xc2: {  	v29, _, _ =	vpop (xrf0)  }
0xc3: {  	(v2sf) =	vpush v29, $0xF;
	_ =	sdelay $0xe  }
0xc4: {  	s29 =	spop (v2sf)  }
0xc5: {  	v5 =	vadd.f32 $0.0e+00, v5;
	s22 =	sand.u32 $0x7F, s29  }
0xc6: {  	v6 =	vadd.f32 $0.0e+00, v6;
	v57 =	vor.u32 s22, v1  }
0xc7: {  	v7 =	vadd.f32 $0.0e+00, v7;
	v5 =	vadd.f32 v9, v5;
	v58 =	vor.u32 s22, v2  }
0xc8: {  	v8 =	vadd.f32 $0.0e+00, v8;
	v6 =	vadd.f32 v10, v6;
	v59 =	vor.u32 s22, v3  }
0xc9: {  	v7 =	vadd.f32 v11, v7;
	v5 =	vadd.f32 v13, v5;
	v60 =	vor.u32 s22, v4  }
0xca: {  	v8 =	vadd.f32 v12, v8;
	v6 =	vadd.f32 v14, v6  }
0xcb: {  	v7 =	vadd.f32 v15, v7;
	v5 =	vadd.f32 v17, v5;
	v61 =	vld.idx.msk [tilespmem:v57+s21+$0x0], $0xffff  }
0xcc: {  	v8 =	vadd.f32 v16, v8;
	v6 =	vadd.f32 v18, v6;
	v9 =	vld.idx.msk [tilespmem:v58+s21+$0x0], $0xffff  }
0xcd: {  	v7 =	vadd.f32 v19, v7;
	v5 =	vadd.f32 v21, v5;
	v10 =	vld.idx.msk [tilespmem:v59+s21+$0x0], $0xffff  }
0xce: {  	v8 =	vadd.f32 v20, v8;
	v6 =	vadd.f32 v22, v6;
	v11 =	vld.idx.msk [tilespmem:v60+s21+$0x0], $0xffff  }
0xcf: {  	v7 =	vadd.f32 v23, v7;
	v5 =	vadd.f32 v25, v5  }
0xd0: {  	v8 =	vadd.f32 v24, v8;
	v6 =	vadd.f32 v26, v6;
	v12 =	vpsel !p1, $0x0, v61  }
0xd1: {  	v7 =	vadd.f32 v27, v7;
	v9 =	vpsel !p1, $0x0, v9;
	v5 =	vadd.f32 v12, v5  }
0xd2: {  	v8 =	vadd.f32 v28, v8;
	v62 =	vpsel !p1, $0x0, v10;
	v6 =	vadd.f32 v9, v6  }
0xd3: {  	v63 =	vpsel !p1, $0x0, v11;
	v7 =	vadd.f32 v62, v7;
	[tilespmem:$0xE100] =	vst v5  }
0xd4: {  	s5 =	sadd.s32 $0xFFFFFFFF, s5;
	v5 =	vadd.f32 v63, v8;
	[tilespmem:$0xE180] =	vst v6  }
0xd5: {  	p2 =	sne.s32 s5, $0x0;
	s30 =	rddreg [dreg:$0x5];
	[tilespmem:$0xE200] =	vst v7  }
.Ltmp0:
0xd6: {  	s31 =	rddreg [dreg:$0x6];
	[tilespmem:$0xE280] =	vst v5;
	(pc) =	sbr.rel @p2 .LBB2_1-.Ltmp0, $4  }
0xd7: {  	[hbm4b:s30+s4] =	stream.linear.scatter [tilespmem:s31], [sflag:$0x8], $0x200, $0x38;
	[tilespmem:$0xE300] =	vst v63  }
0xd8: {  	_ =	swait.ge [sflag:s6], $0x200  }
0xd9: {  	[sflag:s6] =	ssyncset.done $0x0  }
0xda: {  	[sflag:s6] =	ssyncadd.s32 $0xFFFFFE00  }
0xdb: {  	_ =	sfence.sel $0x180000  }
0xdc: {  	[bflag:$0x0] =	sbarrier.arrive $0xFFFF  }
0xdd: {  	p0 =	sne.s32 s0, $0x0;
	_ =	strace $0x90000047  }
0xde: {  	s0 =	sadd.s32 @!p0 $0x100000, s1;
	[bflag:$0x2] =	sbarrier.arrive $0xFFFF  }
0xdf: {  	[sflag:s0] =	ssyncadd.tile.s32 @!p0 $0x1;
	_ =	shalt  }
.Lfunc_end2:
_tile_overlayer_lowered:
.L_overlay_start_2:
0xe0: {  	(tag) =	ssettag $0x2  }
0xe1: {  	s0 =	rddreg [dreg:$0x0];
	s2 =	stileid.u32  }
0xe2: {  	s1 =	rddreg [dreg:$0x1];
	p0 =	sne.s32 s2, $0x0  }
0xe3: {  	s3 =	rddreg [dreg:$0x2];
	[bflag:$0x3] =	sbarrier.arrive $0xFFFF;
	s2 =	simm.s32 @!p0 $0x1C08  }
0xe4: {  	[timem:s3], [sflag:s2] =	dma.local @!p0 [hbm:s0], s1  }
0xe5: {  	s0 =	simm.s32 @!p0 $0x8  }
0xe6: {  	_ =	swait.ge @!p0 [sflag:s0], s1  }
0xe7: {  	s1 =	ssub.s32 @!p0 $0x0, s1;
	[sflag:s0] =	ssyncset.done @!p0 $0x0  }
0xe8: {  	[sflag:s0] =	ssyncadd.s32 @!p0 s1  }
0xe9: {  	[bflag:$0x3] =	sbarrier.arrive $0xFFFF  }
0xea: {  	_ =	shalt  }

</sc_bundles>
